<compile_context>
chip_gen: v7x
topology: tpu7x:2x2x1
jax: 0.10.2.dev20260603
libtpu: 0.0.44.dev20260713+nightly
codegen_flags: <defaults>
</compile_context>

<pallas_src>
import functools

import jax
import jax.numpy as jnp
from jax import lax
from jax.experimental import pallas as pl
from jax.experimental.pallas import tpu as pltpu
from jax.experimental.pallas import tpu_sc as plsc

NUM_CLASSES_K = 1000
BATCH_K = 4096
COLS_K = 20
TOTAL_ROWS_K = COLS_K * NUM_CLASSES_K
NWK = 32
CR_K = 8
NCHUNK_K = TOTAL_ROWS_K // CR_K
CPT_K = -(-NCHUNK_K // NWK)


def _sc_onehot(xt_hbm, out_hbm, xv_ref, buf, sem):
    wid = lax.axis_index("s") * 2 + lax.axis_index("c")
    pltpu.sync_copy(xt_hbm, xv_ref)

    def chunk_body(q, carry):
        ch = wid + NWK * q

        @pl.when(ch < NCHUNK_K)
        def _():
            r0 = ch * CR_K
            t = r0 // NUM_CLASSES_K
            xbase = t * BATCH_K
            for j in range(CR_K):
                c = r0 + j - t * NUM_CLASSES_K

                def inner(k, c2):
                    xv = xv_ref[pl.ds(xbase + k * 16, 16)]
                    buf[j, pl.ds(k * 16, 16)] = jnp.where(
                        xv == c2, jnp.float32(1.0), jnp.float32(0.0)
                    )
                    return c2

                lax.fori_loop(0, BATCH_K // 16, inner, c, unroll=8)
            pltpu.sync_copy(buf, out_hbm.at[pl.ds(r0, CR_K)])

        return carry

    lax.fori_loop(0, CPT_K, chunk_body, 0)


def kernel(x):
    xt = x.astype(jnp.int32).T.reshape(COLS_K * BATCH_K)
    sc = functools.partial(
        pl.kernel,
        out_type=jax.ShapeDtypeStruct((TOTAL_ROWS_K, BATCH_K), jnp.float32),
        mesh=plsc.VectorSubcoreMesh(core_axis_name="c", subcore_axis_name="s"),
        scratch_types=[
            pltpu.VMEM((COLS_K * BATCH_K,), jnp.int32),
            pltpu.VMEM((CR_K, BATCH_K), jnp.float32),
            pltpu.SemaphoreType.DMA,
        ],
    )(_sc_onehot)
    out = sc(xt)
    return out.reshape(COLS_K, NUM_CLASSES_K, BATCH_K).transpose(2, 0, 1)

# --- scband reference (transcript-rebuilt; emitter-appended) ---
"""Pipeline reference for scband-one-hot-33225867002218 (READ-ONLY COPY).

The authoritative reference and input builder live on the scoring server;
editing this copy changes nothing except your own understanding.
"""

import jax, jax.numpy as jnp
import numpy as np

NUM_CLASSES = 1000

def setup_inputs(seed: int = 0) -> dict:
    key = jax.random.key(seed)
    x = jax.random.randint(key, (4096, 20), 0, NUM_CLASSES, dtype=jnp.int64)
    return {"x": x}

def reference(x) -> jnp.ndarray:
    # Faithful translation of F.one_hot(x.long(), num_classes).float()
    res = jax.nn.one_hot(x.astype(jnp.int64), NUM_CLASSES, dtype=jnp.float32)
    return res

if __name__ == "__main__":
    import jax
    _d = setup_inputs()
    print(jax.jit(kernel)(*tuple(_d.values())))

</pallas_src>

<mosaic_0001>
#map = affine_map<(d0, d1) -> (0)>
#map1 = affine_map<(d0, d1) -> (0, 0)>
module attributes {stable_mosaic.version = 14 : i64} {
  func.func @_sc_onehot(%arg0: i32, %arg1: i32, %arg2: memref<81920xi32, #tpu.memory_space<hbm>>, %arg3: memref<20000x4096xf32, #tpu.memory_space<hbm>>, %arg4: memref<81920xi32, #tpu.memory_space<vmem>>, %arg5: memref<8x4096xf32, #tpu.memory_space<vmem>>, %arg6: memref<!tpu.dma_semaphore, #tpu.memory_space<semaphore_mem>>) attributes {dimension_semantics = [#tpu.dimension_semantics<core_parallel>, #tpu.dimension_semantics<subcore_parallel>], iteration_bounds = array<i64: 2, 16>, scalar_prefetch = 0 : i64, scratch_operands = 3 : i64, tpu.core_type = #tpu.core_type<sc_vector_subcore>, window_params = [{transform_indices = #map}, {transform_indices = #map1}]} {
    %mul3A = arith.constant 2 : i32
    %mul3A_0 = arith.muli %arg1, %mul3A : i32
    %add3A = arith.addi %mul3A_0, %arg0 : i32
    "tpu.region"() ({
      %run_scoped3A = tpu.sem_alloc : memref<!tpu.dma_semaphore, #tpu.memory_space<semaphore_mem>>
      tpu.enqueue_dma source(%arg2 : memref<81920xi32, #tpu.memory_space<hbm>>) target(%arg4 : memref<81920xi32, #tpu.memory_space<vmem>>) target_semaphore(%run_scoped3A : memref<!tpu.dma_semaphore, #tpu.memory_space<semaphore_mem>>)
      tpu.wait_dma2 semaphore(%run_scoped3A : memref<!tpu.dma_semaphore, #tpu.memory_space<semaphore_mem>>) src(%arg2 : memref<81920xi32, #tpu.memory_space<hbm>>) dst(%arg4 : memref<81920xi32, #tpu.memory_space<vmem>>)
      tpu.yield
    }) : () -> ()
    %scan3A = arith.constant 0 : i32
    %scan3A_1 = arith.constant 0 : i32
    %scan3A_2 = arith.constant 79 : i32
    %scan3A_3 = arith.addi %scan3A_1, %scan3A_2 : i32
    %scan3A_4 = arith.constant 1 : i32
    scf.for %scan3A_6 = %scan3A_1 to %scan3A_3 step %scan3A_4  : i32 {
      %mul3A_7 = arith.constant 32 : i32
      %mul3A_8 = arith.muli %mul3A_7, %scan3A_6 : i32
      %add3A_9 = arith.addi %add3A, %mul3A_8 : i32
      %lt3A = arith.constant 2500 : i32
      %lt3A_10 = arith.cmpi slt, %add3A_9, %lt3A : i32
      %convert_element_type3A = arith.extui %lt3A_10 : i1 to i32
      %cond3A = arith.constant 0 : i32
      %cond3A_11 = arith.cmpi ne, %convert_element_type3A, %cond3A : i32
      scf.if %cond3A_11 {
        %mul3A_12 = arith.constant 8 : i32
        %mul3A_13 = arith.muli %add3A_9, %mul3A_12 : i32
        %jit3A = arith.constant 1000 : i32
        %div3A = arith.divsi %mul3A_13, %jit3A : i32
        %sign3A = arith.constant 0 : i32
        %sign3A_14 = arith.cmpi sgt, %mul3A_13, %sign3A : i32
        %sign3A_15 = arith.extui %sign3A_14 : i1 to i32
        %sign3A_16 = arith.constant 0 : i32
        %sign3A_17 = arith.cmpi slt, %mul3A_13, %sign3A_16 : i32
        %sign3A_18 = arith.extui %sign3A_17 : i1 to i32
        %sign3A_19 = arith.subi %sign3A_15, %sign3A_18 : i32
        %sign3A_20 = arith.constant 0 : i32
        %sign3A_21 = arith.cmpi sgt, %jit3A, %sign3A_20 : i32
        %sign3A_22 = arith.extui %sign3A_21 : i1 to i32
        %sign3A_23 = arith.constant 0 : i32
        %sign3A_24 = arith.cmpi slt, %jit3A, %sign3A_23 : i32
        %sign3A_25 = arith.extui %sign3A_24 : i1 to i32
        %sign3A_26 = arith.subi %sign3A_22, %sign3A_25 : i32
        %ne3A = arith.cmpi ne, %sign3A_19, %sign3A_26 : i32
        %rem3A = arith.remsi %mul3A_13, %jit3A : i32
        %ne3A_27 = arith.constant 0 : i32
        %ne3A_28 = arith.cmpi ne, %rem3A, %ne3A_27 : i32
        %and3A = arith.andi %ne3A, %ne3A_28 : i1
        %sub3A = arith.constant 1 : i32
        %sub3A_29 = arith.subi %div3A, %sub3A : i32
        %select_n3A = arith.select %and3A, %sub3A_29, %div3A : i32
        %mul3A_30 = arith.constant 4096 : i32
        %mul3A_31 = arith.muli %select_n3A, %mul3A_30 : i32
        %add3A_32 = arith.constant 0 : i32
        %add3A_33 = arith.addi %mul3A_13, %add3A_32 : i32
        %mul3A_34 = arith.constant 1000 : i32
        %mul3A_35 = arith.muli %select_n3A, %mul3A_34 : i32
        %sub3A_36 = arith.subi %add3A_33, %mul3A_35 : i32
        %scan3A_37 = arith.constant 0 : i32
        %scan3A_38 = arith.constant 256 : i32
        %scan3A_39 = arith.addi %scan3A_37, %scan3A_38 : i32
        %scan3A_40 = arith.constant 8 : i32
        scf.for %scan3A_112 = %scan3A_37 to %scan3A_39 step %scan3A_40  : i32 {
          %mul3A_113 = arith.constant 16 : i32
          %mul3A_114 = arith.muli %scan3A_112, %mul3A_113 : i32
          %add3A_115 = arith.addi %mul3A_31, %mul3A_114 : i32
          %get3A = arith.index_cast %add3A_115 : i32 to index
          %get3A_116 = tpu.vector_load %arg4[%get3A] {strides = array<i32>} : memref<81920xi32, #tpu.memory_space<vmem>>, vector<16xi32>,
          %get3A_117 = vector.shape_cast %get3A_116 : vector<16xi32> to vector<16xi32>
          %eq3A = vector.broadcast %sub3A_36 : i32 to vector<16xi32>
          %eq3A_118 = arith.cmpi eq, %get3A_117, %eq3A : vector<16xi32>
          %jit3A_119 = arith.constant 1.000000e+00 : f32
          %jit3A_120 = arith.constant 0.000000e+00 : f32
          %broadcast_in_dim3A = vector.broadcast %jit3A_119 : f32 to vector<16xf32>
          %broadcast_in_dim3A_121 = vector.broadcast %jit3A_120 : f32 to vector<16xf32>
          %select_n3A_122 = arith.select %eq3A_118, %broadcast_in_dim3A, %broadcast_in_dim3A_121 : vector<16xi1>, vector<16xf32>
          %mul3A_123 = arith.constant 16 : i32
          %mul3A_124 = arith.muli %scan3A_112, %mul3A_123 : i32
          %swap3A = arith.constant 0 : i32
          %swap3A_125 = arith.index_cast %swap3A : i32 to index
          %swap3A_126 = arith.index_cast %mul3A_124 : i32 to index
          %swap3A_127 = tpu.vector_load %arg5[%swap3A_125, %swap3A_126] {strides = array<i32>} : memref<8x4096xf32, #tpu.memory_space<vmem>>, vector<1x16xf32>,
          %swap3A_128 = vector.shape_cast %swap3A_127 : vector<1x16xf32> to vector<16xf32>
          %swap3A_129 = vector.shape_cast %select_n3A_122 : vector<16xf32> to vector<1x16xf32>
          tpu.vector_store %arg5[%swap3A_125, %swap3A_126], %swap3A_129 {strides = array<i32>} : memref<8x4096xf32, #tpu.memory_space<vmem>>, vector<1x16xf32>,
          %scan3A_130 = arith.constant 1 : i32
          %scan3A_131 = arith.addi %scan3A_112, %scan3A_130 : i32
          %mul3A_132 = arith.constant 16 : i32
          %mul3A_133 = arith.muli %scan3A_131, %mul3A_132 : i32
          %add3A_134 = arith.addi %mul3A_31, %mul3A_133 : i32
          %get3A_135 = arith.index_cast %add3A_134 : i32 to index
          %get3A_136 = tpu.vector_load %arg4[%get3A_135] {strides = array<i32>} : memref<81920xi32, #tpu.memory_space<vmem>>, vector<16xi32>,
          %get3A_137 = vector.shape_cast %get3A_136 : vector<16xi32> to vector<16xi32>
          %eq3A_138 = vector.broadcast %sub3A_36 : i32 to vector<16xi32>
          %eq3A_139 = arith.cmpi eq, %get3A_137, %eq3A_138 : vector<16xi32>
          %jit3A_140 = arith.constant 1.000000e+00 : f32
          %jit3A_141 = arith.constant 0.000000e+00 : f32
          %broadcast_in_dim3A_142 = vector.broadcast %jit3A_140 : f32 to vector<16xf32>
          %broadcast_in_dim3A_143 = vector.broadcast %jit3A_141 : f32 to vector<16xf32>
          %select_n3A_144 = arith.select %eq3A_139, %broadcast_in_dim3A_142, %broadcast_in_dim3A_143 : vector<16xi1>, vector<16xf32>
          %mul3A_145 = arith.constant 16 : i32
          %mul3A_146 = arith.muli %scan3A_131, %mul3A_145 : i32
          %swap3A_147 = arith.constant 0 : i32
          %swap3A_148 = arith.index_cast %swap3A_147 : i32 to index
          %swap3A_149 = arith.index_cast %mul3A_146 : i32 to index
          %swap3A_150 = tpu.vector_load %arg5[%swap3A_148, %swap3A_149] {strides = array<i32>} : memref<8x4096xf32, #tpu.memory_space<vmem>>, vector<1x16xf32>,
          %swap3A_151 = vector.shape_cast %swap3A_150 : vector<1x16xf32> to vector<16xf32>
          %swap3A_152 = vector.shape_cast %select_n3A_144 : vector<16xf32> to vector<1x16xf32>
          tpu.vector_store %arg5[%swap3A_148, %swap3A_149], %swap3A_152 {strides = array<i32>} : memref<8x4096xf32, #tpu.memory_space<vmem>>, vector<1x16xf32>,
          %scan3A_153 = arith.constant 2 : i32
          %scan3A_154 = arith.addi %scan3A_112, %scan3A_153 : i32
          %mul3A_155 = arith.constant 16 : i32
          %mul3A_156 = arith.muli %scan3A_154, %mul3A_155 : i32
          %add3A_157 = arith.addi %mul3A_31, %mul3A_156 : i32
          %get3A_158 = arith.index_cast %add3A_157 : i32 to index
          %get3A_159 = tpu.vector_load %arg4[%get3A_158] {strides = array<i32>} : memref<81920xi32, #tpu.memory_space<vmem>>, vector<16xi32>,
          %get3A_160 = vector.shape_cast %get3A_159 : vector<16xi32> to vector<16xi32>
          %eq3A_161 = vector.broadcast %sub3A_36 : i32 to vector<16xi32>
          %eq3A_162 = arith.cmpi eq, %get3A_160, %eq3A_161 : vector<16xi32>
          %jit3A_163 = arith.constant 1.000000e+00 : f32
          %jit3A_164 = arith.constant 0.000000e+00 : f32
          %broadcast_in_dim3A_165 = vector.broadcast %jit3A_163 : f32 to vector<16xf32>
          %broadcast_in_dim3A_166 = vector.broadcast %jit3A_164 : f32 to vector<16xf32>
          %select_n3A_167 = arith.select %eq3A_162, %broadcast_in_dim3A_165, %broadcast_in_dim3A_166 : vector<16xi1>, vector<16xf32>
          %mul3A_168 = arith.constant 16 : i32
          %mul3A_169 = arith.muli %scan3A_154, %mul3A_168 : i32
          %swap3A_170 = arith.constant 0 : i32
          %swap3A_171 = arith.index_cast %swap3A_170 : i32 to index
          %swap3A_172 = arith.index_cast %mul3A_169 : i32 to index
          %swap3A_173 = tpu.vector_load %arg5[%swap3A_171, %swap3A_172] {strides = array<i32>} : memref<8x4096xf32, #tpu.memory_space<vmem>>, vector<1x16xf32>,
          %swap3A_174 = vector.shape_cast %swap3A_173 : vector<1x16xf32> to vector<16xf32>
          %swap3A_175 = vector.shape_cast %select_n3A_167 : vector<16xf32> to vector<1x16xf32>
          tpu.vector_store %arg5[%swap3A_171, %swap3A_172], %swap3A_175 {strides = array<i32>} : memref<8x4096xf32, #tpu.memory_space<vmem>>, vector<1x16xf32>,
          %scan3A_176 = arith.constant 3 : i32
          %scan3A_177 = arith.addi %scan3A_112, %scan3A_176 : i32
          %mul3A_178 = arith.constant 16 : i32
          %mul3A_179 = arith.muli %scan3A_177, %mul3A_178 : i32
          %add3A_180 = arith.addi %mul3A_31, %mul3A_179 : i32
          %get3A_181 = arith.index_cast %add3A_180 : i32 to index
          %get3A_182 = tpu.vector_load %arg4[%get3A_181] {strides = array<i32>} : memref<81920xi32, #tpu.memory_space<vmem>>, vector<16xi32>,
          %get3A_183 = vector.shape_cast %get3A_182 : vector<16xi32> to vector<16xi32>
          %eq3A_184 = vector.broadcast %sub3A_36 : i32 to vector<16xi32>
          %eq3A_185 = arith.cmpi eq, %get3A_183, %eq3A_184 : vector<16xi32>
          %jit3A_186 = arith.constant 1.000000e+00 : f32
          %jit3A_187 = arith.constant 0.000000e+00 : f32
          %broadcast_in_dim3A_188 = vector.broadcast %jit3A_186 : f32 to vector<16xf32>
          %broadcast_in_dim3A_189 = vector.broadcast %jit3A_187 : f32 to vector<16xf32>
          %select_n3A_190 = arith.select %eq3A_185, %broadcast_in_dim3A_188, %broadcast_in_dim3A_189 : vector<16xi1>, vector<16xf32>
          %mul3A_191 = arith.constant 16 : i32
          %mul3A_192 = arith.muli %scan3A_177, %mul3A_191 : i32
          %swap3A_193 = arith.constant 0 : i32
          %swap3A_194 = arith.index_cast %swap3A_193 : i32 to index
          %swap3A_195 = arith.index_cast %mul3A_192 : i32 to index
          %swap3A_196 = tpu.vector_load %arg5[%swap3A_194, %swap3A_195] {strides = array<i32>} : memref<8x4096xf32, #tpu.memory_space<vmem>>, vector<1x16xf32>,
          %swap3A_197 = vector.shape_cast %swap3A_196 : vector<1x16xf32> to vector<16xf32>
          %swap3A_198 = vector.shape_cast %select_n3A_190 : vector<16xf32> to vector<1x16xf32>
          tpu.vector_store %arg5[%swap3A_194, %swap3A_195], %swap3A_198 {strides = array<i32>} : memref<8x4096xf32, #tpu.memory_space<vmem>>, vector<1x16xf32>,
          %scan3A_199 = arith.constant 4 : i32
          %scan3A_200 = arith.addi %scan3A_112, %scan3A_199 : i32
          %mul3A_201 = arith.constant 16 : i32
          %mul3A_202 = arith.muli %scan3A_200, %mul3A_201 : i32
          %add3A_203 = arith.addi %mul3A_31, %mul3A_202 : i32
          %get3A_204 = arith.index_cast %add3A_203 : i32 to index
          %get3A_205 = tpu.vector_load %arg4[%get3A_204] {strides = array<i32>} : memref<81920xi32, #tpu.memory_space<vmem>>, vector<16xi32>,
          %get3A_206 = vector.shape_cast %get3A_205 : vector<16xi32> to vector<16xi32>
          %eq3A_207 = vector.broadcast %sub3A_36 : i32 to vector<16xi32>
          %eq3A_208 = arith.cmpi eq, %get3A_206, %eq3A_207 : vector<16xi32>
          %jit3A_209 = arith.constant 1.000000e+00 : f32
          %jit3A_210 = arith.constant 0.000000e+00 : f32
          %broadcast_in_dim3A_211 = vector.broadcast %jit3A_209 : f32 to vector<16xf32>
          %broadcast_in_dim3A_212 = vector.broadcast %jit3A_210 : f32 to vector<16xf32>
          %select_n3A_213 = arith.select %eq3A_208, %broadcast_in_dim3A_211, %broadcast_in_dim3A_212 : vector<16xi1>, vector<16xf32>
          %mul3A_214 = arith.constant 16 : i32
          %mul3A_215 = arith.muli %scan3A_200, %mul3A_214 : i32
          %swap3A_216 = arith.constant 0 : i32
          %swap3A_217 = arith.index_cast %swap3A_216 : i32 to index
          %swap3A_218 = arith.index_cast %mul3A_215 : i32 to index
          %swap3A_219 = tpu.vector_load %arg5[%swap3A_217, %swap3A_218] {strides = array<i32>} : memref<8x4096xf32, #tpu.memory_space<vmem>>, vector<1x16xf32>,
          %swap3A_220 = vector.shape_cast %swap3A_219 : vector<1x16xf32> to vector<16xf32>
          %swap3A_221 = vector.shape_cast %select_n3A_213 : vector<16xf32> to vector<1x16xf32>
          tpu.vector_store %arg5[%swap3A_217, %swap3A_218], %swap3A_221 {strides = array<i32>} : memref<8x4096xf32, #tpu.memory_space<vmem>>, vector<1x16xf32>,
          %scan3A_222 = arith.constant 5 : i32
          %scan3A_223 = arith.addi %scan3A_112, %scan3A_222 : i32
          %mul3A_224 = arith.constant 16 : i32
          %mul3A_225 = arith.muli %scan3A_223, %mul3A_224 : i32
          %add3A_226 = arith.addi %mul3A_31, %mul3A_225 : i32
          %get3A_227 = arith.index_cast %add3A_226 : i32 to index
          %get3A_228 = tpu.vector_load %arg4[%get3A_227] {strides = array<i32>} : memref<81920xi32, #tpu.memory_space<vmem>>, vector<16xi32>,
          %get3A_229 = vector.shape_cast %get3A_228 : vector<16xi32> to vector<16xi32>
          %eq3A_230 = vector.broadcast %sub3A_36 : i32 to vector<16xi32>
          %eq3A_231 = arith.cmpi eq, %get3A_229, %eq3A_230 : vector<16xi32>
          %jit3A_232 = arith.constant 1.000000e+00 : f32
          %jit3A_233 = arith.constant 0.000000e+00 : f32
          %broadcast_in_dim3A_234 = vector.broadcast %jit3A_232 : f32 to vector<16xf32>
          %broadcast_in_dim3A_235 = vector.broadcast %jit3A_233 : f32 to vector<16xf32>
          %select_n3A_236 = arith.select %eq3A_231, %broadcast_in_dim3A_234, %broadcast_in_dim3A_235 : vector<16xi1>, vector<16xf32>
          %mul3A_237 = arith.constant 16 : i32
          %mul3A_238 = arith.muli %scan3A_223, %mul3A_237 : i32
          %swap3A_239 = arith.constant 0 : i32
          %swap3A_240 = arith.index_cast %swap3A_239 : i32 to index
          %swap3A_241 = arith.index_cast %mul3A_238 : i32 to index
          %swap3A_242 = tpu.vector_load %arg5[%swap3A_240, %swap3A_241] {strides = array<i32>} : memref<8x4096xf32, #tpu.memory_space<vmem>>, vector<1x16xf32>,
          %swap3A_243 = vector.shape_cast %swap3A_242 : vector<1x16xf32> to vector<16xf32>
          %swap3A_244 = vector.shape_cast %select_n3A_236 : vector<16xf32> to vector<1x16xf32>
          tpu.vector_store %arg5[%swap3A_240, %swap3A_241], %swap3A_244 {strides = array<i32>} : memref<8x4096xf32, #tpu.memory_space<vmem>>, vector<1x16xf32>,
          %scan3A_245 = arith.constant 6 : i32
          %scan3A_246 = arith.addi %scan3A_112, %scan3A_245 : i32
          %mul3A_247 = arith.constant 16 : i32
          %mul3A_248 = arith.muli %scan3A_246, %mul3A_247 : i32
          %add3A_249 = arith.addi %mul3A_31, %mul3A_248 : i32
          %get3A_250 = arith.index_cast %add3A_249 : i32 to index
          %get3A_251 = tpu.vector_load %arg4[%get3A_250] {strides = array<i32>} : memref<81920xi32, #tpu.memory_space<vmem>>, vector<16xi32>,
          %get3A_252 = vector.shape_cast %get3A_251 : vector<16xi32> to vector<16xi32>
          %eq3A_253 = vector.broadcast %sub3A_36 : i32 to vector<16xi32>
          %eq3A_254 = arith.cmpi eq, %get3A_252, %eq3A_253 : vector<16xi32>
          %jit3A_255 = arith.constant 1.000000e+00 : f32
          %jit3A_256 = arith.constant 0.000000e+00 : f32
          %broadcast_in_dim3A_257 = vector.broadcast %jit3A_255 : f32 to vector<16xf32>
          %broadcast_in_dim3A_258 = vector.broadcast %jit3A_256 : f32 to vector<16xf32>
          %select_n3A_259 = arith.select %eq3A_254, %broadcast_in_dim3A_257, %broadcast_in_dim3A_258 : vector<16xi1>, vector<16xf32>
          %mul3A_260 = arith.constant 16 : i32
          %mul3A_261 = arith.muli %scan3A_246, %mul3A_260 : i32
          %swap3A_262 = arith.constant 0 : i32
          %swap3A_263 = arith.index_cast %swap3A_262 : i32 to index
          %swap3A_264 = arith.index_cast %mul3A_261 : i32 to index
          %swap3A_265 = tpu.vector_load %arg5[%swap3A_263, %swap3A_264] {strides = array<i32>} : memref<8x4096xf32, #tpu.memory_space<vmem>>, vector<1x16xf32>,
          %swap3A_266 = vector.shape_cast %swap3A_265 : vector<1x16xf32> to vector<16xf32>
          %swap3A_267 = vector.shape_cast %select_n3A_259 : vector<16xf32> to vector<1x16xf32>
          tpu.vector_store %arg5[%swap3A_263, %swap3A_264], %swap3A_267 {strides = array<i32>} : memref<8x4096xf32, #tpu.memory_space<vmem>>, vector<1x16xf32>,
          %scan3A_268 = arith.constant 7 : i32
          %scan3A_269 = arith.addi %scan3A_112, %scan3A_268 : i32
          %mul3A_270 = arith.constant 16 : i32
          %mul3A_271 = arith.muli %scan3A_269, %mul3A_270 : i32
          %add3A_272 = arith.addi %mul3A_31, %mul3A_271 : i32
          %get3A_273 = arith.index_cast %add3A_272 : i32 to index
          %get3A_274 = tpu.vector_load %arg4[%get3A_273] {strides = array<i32>} : memref<81920xi32, #tpu.memory_space<vmem>>, vector<16xi32>,
          %get3A_275 = vector.shape_cast %get3A_274 : vector<16xi32> to vector<16xi32>
          %eq3A_276 = vector.broadcast %sub3A_36 : i32 to vector<16xi32>
          %eq3A_277 = arith.cmpi eq, %get3A_275, %eq3A_276 : vector<16xi32>
          %jit3A_278 = arith.constant 1.000000e+00 : f32
          %jit3A_279 = arith.constant 0.000000e+00 : f32
          %broadcast_in_dim3A_280 = vector.broadcast %jit3A_278 : f32 to vector<16xf32>
          %broadcast_in_dim3A_281 = vector.broadcast %jit3A_279 : f32 to vector<16xf32>
          %select_n3A_282 = arith.select %eq3A_277, %broadcast_in_dim3A_280, %broadcast_in_dim3A_281 : vector<16xi1>, vector<16xf32>
          %mul3A_283 = arith.constant 16 : i32
          %mul3A_284 = arith.muli %scan3A_269, %mul3A_283 : i32
          %swap3A_285 = arith.constant 0 : i32
          %swap3A_286 = arith.index_cast %swap3A_285 : i32 to index
          %swap3A_287 = arith.index_cast %mul3A_284 : i32 to index
          %swap3A_288 = tpu.vector_load %arg5[%swap3A_286, %swap3A_287] {strides = array<i32>} : memref<8x4096xf32, #tpu.memory_space<vmem>>, vector<1x16xf32>,
          %swap3A_289 = vector.shape_cast %swap3A_288 : vector<1x16xf32> to vector<16xf32>
          %swap3A_290 = vector.shape_cast %select_n3A_282 : vector<16xf32> to vector<1x16xf32>
          tpu.vector_store %arg5[%swap3A_286, %swap3A_287], %swap3A_290 {strides = array<i32>} : memref<8x4096xf32, #tpu.memory_space<vmem>>, vector<1x16xf32>,
        }
        %scan3A_41 = arith.constant 256 : i32
        %add3A_42 = arith.constant 1 : i32
        %add3A_43 = arith.addi %mul3A_13, %add3A_42 : i32
        %mul3A_44 = arith.constant 1000 : i32
        %mul3A_45 = arith.muli %select_n3A, %mul3A_44 : i32
        %sub3A_46 = arith.subi %add3A_43, %mul3A_45 : i32
        %scan3A_47 = arith.constant 0 : i32
        %scan3A_48 = arith.constant 256 : i32
        %scan3A_49 = arith.addi %scan3A_47, %scan3A_48 : i32
        %scan3A_50 = arith.constant 8 : i32
        scf.for %scan3A_112 = %scan3A_47 to %scan3A_49 step %scan3A_50  : i32 {
          %mul3A_113 = arith.constant 16 : i32
          %mul3A_114 = arith.muli %scan3A_112, %mul3A_113 : i32
          %add3A_115 = arith.addi %mul3A_31, %mul3A_114 : i32
          %get3A = arith.index_cast %add3A_115 : i32 to index
          %get3A_116 = tpu.vector_load %arg4[%get3A] {strides = array<i32>} : memref<81920xi32, #tpu.memory_space<vmem>>, vector<16xi32>,
          %get3A_117 = vector.shape_cast %get3A_116 : vector<16xi32> to vector<16xi32>
          %eq3A = vector.broadcast %sub3A_46 : i32 to vector<16xi32>
          %eq3A_118 = arith.cmpi eq, %get3A_117, %eq3A : vector<16xi32>
          %jit3A_119 = arith.constant 1.000000e+00 : f32
          %jit3A_120 = arith.constant 0.000000e+00 : f32
          %broadcast_in_dim3A = vector.broadcast %jit3A_119 : f32 to vector<16xf32>
          %broadcast_in_dim3A_121 = vector.broadcast %jit3A_120 : f32 to vector<16xf32>
          %select_n3A_122 = arith.select %eq3A_118, %broadcast_in_dim3A, %broadcast_in_dim3A_121 : vector<16xi1>, vector<16xf32>
          %mul3A_123 = arith.constant 16 : i32
          %mul3A_124 = arith.muli %scan3A_112, %mul3A_123 : i32
          %swap3A = arith.constant 1 : i32
          %swap3A_125 = arith.index_cast %swap3A : i32 to index
          %swap3A_126 = arith.index_cast %mul3A_124 : i32 to index
          %swap3A_127 = tpu.vector_load %arg5[%swap3A_125, %swap3A_126] {strides = array<i32>} : memref<8x4096xf32, #tpu.memory_space<vmem>>, vector<1x16xf32>,
          %swap3A_128 = vector.shape_cast %swap3A_127 : vector<1x16xf32> to vector<16xf32>
          %swap3A_129 = vector.shape_cast %select_n3A_122 : vector<16xf32> to vector<1x16xf32>
          tpu.vector_store %arg5[%swap3A_125, %swap3A_126], %swap3A_129 {strides = array<i32>} : memref<8x4096xf32, #tpu.memory_space<vmem>>, vector<1x16xf32>,
          %scan3A_130 = arith.constant 1 : i32
          %scan3A_131 = arith.addi %scan3A_112, %scan3A_130 : i32
          %mul3A_132 = arith.constant 16 : i32
          %mul3A_133 = arith.muli %scan3A_131, %mul3A_132 : i32
          %add3A_134 = arith.addi %mul3A_31, %mul3A_133 : i32
          %get3A_135 = arith.index_cast %add3A_134 : i32 to index
          %get3A_136 = tpu.vector_load %arg4[%get3A_135] {strides = array<i32>} : memref<81920xi32, #tpu.memory_space<vmem>>, vector<16xi32>,
          %get3A_137 = vector.shape_cast %get3A_136 : vector<16xi32> to vector<16xi32>
          %eq3A_138 = vector.broadcast %sub3A_46 : i32 to vector<16xi32>
          %eq3A_139 = arith.cmpi eq, %get3A_137, %eq3A_138 : vector<16xi32>
          %jit3A_140 = arith.constant 1.000000e+00 : f32
          %jit3A_141 = arith.constant 0.000000e+00 : f32
          %broadcast_in_dim3A_142 = vector.broadcast %jit3A_140 : f32 to vector<16xf32>
          %broadcast_in_dim3A_143 = vector.broadcast %jit3A_141 : f32 to vector<16xf32>
          %select_n3A_144 = arith.select %eq3A_139, %broadcast_in_dim3A_142, %broadcast_in_dim3A_143 : vector<16xi1>, vector<16xf32>
          %mul3A_145 = arith.constant 16 : i32
          %mul3A_146 = arith.muli %scan3A_131, %mul3A_145 : i32
          %swap3A_147 = arith.constant 1 : i32
          %swap3A_148 = arith.index_cast %swap3A_147 : i32 to index
          %swap3A_149 = arith.index_cast %mul3A_146 : i32 to index
          %swap3A_150 = tpu.vector_load %arg5[%swap3A_148, %swap3A_149] {strides = array<i32>} : memref<8x4096xf32, #tpu.memory_space<vmem>>, vector<1x16xf32>,
          %swap3A_151 = vector.shape_cast %swap3A_150 : vector<1x16xf32> to vector<16xf32>
          %swap3A_152 = vector.shape_cast %select_n3A_144 : vector<16xf32> to vector<1x16xf32>
          tpu.vector_store %arg5[%swap3A_148, %swap3A_149], %swap3A_152 {strides = array<i32>} : memref<8x4096xf32, #tpu.memory_space<vmem>>, vector<1x16xf32>,
          %scan3A_153 = arith.constant 2 : i32
          %scan3A_154 = arith.addi %scan3A_112, %scan3A_153 : i32
          %mul3A_155 = arith.constant 16 : i32
          %mul3A_156 = arith.muli %scan3A_154, %mul3A_155 : i32
          %add3A_157 = arith.addi %mul3A_31, %mul3A_156 : i32
          %get3A_158 = arith.index_cast %add3A_157 : i32 to index
          %get3A_159 = tpu.vector_load %arg4[%get3A_158] {strides = array<i32>} : memref<81920xi32, #tpu.memory_space<vmem>>, vector<16xi32>,
          %get3A_160 = vector.shape_cast %get3A_159 : vector<16xi32> to vector<16xi32>
          %eq3A_161 = vector.broadcast %sub3A_46 : i32 to vector<16xi32>
          %eq3A_162 = arith.cmpi eq, %get3A_160, %eq3A_161 : vector<16xi32>
          %jit3A_163 = arith.constant 1.000000e+00 : f32
          %jit3A_164 = arith.constant 0.000000e+00 : f32
          %broadcast_in_dim3A_165 = vector.broadcast %jit3A_163 : f32 to vector<16xf32>
          %broadcast_in_dim3A_166 = vector.broadcast %jit3A_164 : f32 to vector<16xf32>
          %select_n3A_167 = arith.select %eq3A_162, %broadcast_in_dim3A_165, %broadcast_in_dim3A_166 : vector<16xi1>, vector<16xf32>
          %mul3A_168 = arith.constant 16 : i32
          %mul3A_169 = arith.muli %scan3A_154, %mul3A_168 : i32
          %swap3A_170 = arith.constant 1 : i32
          %swap3A_171 = arith.index_cast %swap3A_170 : i32 to index
          %swap3A_172 = arith.index_cast %mul3A_169 : i32 to index
          %swap3A_173 = tpu.vector_load %arg5[%swap3A_171, %swap3A_172] {strides = array<i32>} : memref<8x4096xf32, #tpu.memory_space<vmem>>, vector<1x16xf32>,
          %swap3A_174 = vector.shape_cast %swap3A_173 : vector<1x16xf32> to vector<16xf32>
          %swap3A_175 = vector.shape_cast %select_n3A_167 : vector<16xf32> to vector<1x16xf32>
          tpu.vector_store %arg5[%swap3A_171, %swap3A_172], %swap3A_175 {strides = array<i32>} : memref<8x4096xf32, #tpu.memory_space<vmem>>, vector<1x16xf32>,
          %scan3A_176 = arith.constant 3 : i32
          %scan3A_177 = arith.addi %scan3A_112, %scan3A_176 : i32
          %mul3A_178 = arith.constant 16 : i32
          %mul3A_179 = arith.muli %scan3A_177, %mul3A_178 : i32
          %add3A_180 = arith.addi %mul3A_31, %mul3A_179 : i32
          %get3A_181 = arith.index_cast %add3A_180 : i32 to index
          %get3A_182 = tpu.vector_load %arg4[%get3A_181] {strides = array<i32>} : memref<81920xi32, #tpu.memory_space<vmem>>, vector<16xi32>,
          %get3A_183 = vector.shape_cast %get3A_182 : vector<16xi32> to vector<16xi32>
          %eq3A_184 = vector.broadcast %sub3A_46 : i32 to vector<16xi32>
          %eq3A_185 = arith.cmpi eq, %get3A_183, %eq3A_184 : vector<16xi32>
          %jit3A_186 = arith.constant 1.000000e+00 : f32
          %jit3A_187 = arith.constant 0.000000e+00 : f32
          %broadcast_in_dim3A_188 = vector.broadcast %jit3A_186 : f32 to vector<16xf32>
          %broadcast_in_dim3A_189 = vector.broadcast %jit3A_187 : f32 to vector<16xf32>
          %select_n3A_190 = arith.select %eq3A_185, %broadcast_in_dim3A_188, %broadcast_in_dim3A_189 : vector<16xi1>, vector<16xf32>
          %mul3A_191 = arith.constant 16 : i32
          %mul3A_192 = arith.muli %scan3A_177, %mul3A_191 : i32
          %swap3A_193 = arith.constant 1 : i32
          %swap3A_194 = arith.index_cast %swap3A_193 : i32 to index
          %swap3A_195 = arith.index_cast %mul3A_192 : i32 to index
          %swap3A_196 = tpu.vector_load %arg5[%swap3A_194, %swap3A_195] {strides = array<i32>} : memref<8x4096xf32, #tpu.memory_space<vmem>>, vector<1x16xf32>,
          %swap3A_197 = vector.shape_cast %swap3A_196 : vector<1x16xf32> to vector<16xf32>
          %swap3A_198 = vector.shape_cast %select_n3A_190 : vector<16xf32> to vector<1x16xf32>
          tpu.vector_store %arg5[%swap3A_194, %swap3A_195], %swap3A_198 {strides = array<i32>} : memref<8x4096xf32, #tpu.memory_space<vmem>>, vector<1x16xf32>,
          %scan3A_199 = arith.constant 4 : i32
          %scan3A_200 = arith.addi %scan3A_112, %scan3A_199 : i32
          %mul3A_201 = arith.constant 16 : i32
          %mul3A_202 = arith.muli %scan3A_200, %mul3A_201 : i32
          %add3A_203 = arith.addi %mul3A_31, %mul3A_202 : i32
          %get3A_204 = arith.index_cast %add3A_203 : i32 to index
          %get3A_205 = tpu.vector_load %arg4[%get3A_204] {strides = array<i32>} : memref<81920xi32, #tpu.memory_space<vmem>>, vector<16xi32>,
          %get3A_206 = vector.shape_cast %get3A_205 : vector<16xi32> to vector<16xi32>
          %eq3A_207 = vector.broadcast %sub3A_46 : i32 to vector<16xi32>
          %eq3A_208 = arith.cmpi eq, %get3A_206, %eq3A_207 : vector<16xi32>
          %jit3A_209 = arith.constant 1.000000e+00 : f32
          %jit3A_210 = arith.constant 0.000000e+00 : f32
          %broadcast_in_dim3A_211 = vector.broadcast %jit3A_209 : f32 to vector<16xf32>
          %broadcast_in_dim3A_212 = vector.broadcast %jit3A_210 : f32 to vector<16xf32>
          %select_n3A_213 = arith.select %eq3A_208, %broadcast_in_dim3A_211, %broadcast_in_dim3A_212 : vector<16xi1>, vector<16xf32>
          %mul3A_214 = arith.constant 16 : i32
          %mul3A_215 = arith.muli %scan3A_200, %mul3A_214 : i32
          %swap3A_216 = arith.constant 1 : i32
          %swap3A_217 = arith.index_cast %swap3A_216 : i32 to index
          %swap3A_218 = arith.index_cast %mul3A_215 : i32 to index
          %swap3A_219 = tpu.vector_load %arg5[%swap3A_217, %swap3A_218] {strides = array<i32>} : memref<8x4096xf32, #tpu.memory_space<vmem>>, vector<1x16xf32>,
          %swap3A_220 = vector.shape_cast %swap3A_219 : vector<1x16xf32> to vector<16xf32>
          %swap3A_221 = vector.shape_cast %select_n3A_213 : vector<16xf32> to vector<1x16xf32>
          tpu.vector_store %arg5[%swap3A_217, %swap3A_218], %swap3A_221 {strides = array<i32>} : memref<8x4096xf32, #tpu.memory_space<vmem>>, vector<1x16xf32>,
          %scan3A_222 = arith.constant 5 : i32
          %scan3A_223 = arith.addi %scan3A_112, %scan3A_222 : i32
          %mul3A_224 = arith.constant 16 : i32
          %mul3A_225 = arith.muli %scan3A_223, %mul3A_224 : i32
          %add3A_226 = arith.addi %mul3A_31, %mul3A_225 : i32
          %get3A_227 = arith.index_cast %add3A_226 : i32 to index
          %get3A_228 = tpu.vector_load %arg4[%get3A_227] {strides = array<i32>} : memref<81920xi32, #tpu.memory_space<vmem>>, vector<16xi32>,
          %get3A_229 = vector.shape_cast %get3A_228 : vector<16xi32> to vector<16xi32>
          %eq3A_230 = vector.broadcast %sub3A_46 : i32 to vector<16xi32>
          %eq3A_231 = arith.cmpi eq, %get3A_229, %eq3A_230 : vector<16xi32>
          %jit3A_232 = arith.constant 1.000000e+00 : f32
          %jit3A_233 = arith.constant 0.000000e+00 : f32
          %broadcast_in_dim3A_234 = vector.broadcast %jit3A_232 : f32 to vector<16xf32>
          %broadcast_in_dim3A_235 = vector.broadcast %jit3A_233 : f32 to vector<16xf32>
          %select_n3A_236 = arith.select %eq3A_231, %broadcast_in_dim3A_234, %broadcast_in_dim3A_235 : vector<16xi1>, vector<16xf32>
          %mul3A_237 = arith.constant 16 : i32
          %mul3A_238 = arith.muli %scan3A_223, %mul3A_237 : i32
          %swap3A_239 = arith.constant 1 : i32
          %swap3A_240 = arith.index_cast %swap3A_239 : i32 to index
          %swap3A_241 = arith.index_cast %mul3A_238 : i32 to index
          %swap3A_242 = tpu.vector_load %arg5[%swap3A_240, %swap3A_241] {strides = array<i32>} : memref<8x4096xf32, #tpu.memory_space<vmem>>, vector<1x16xf32>,
          %swap3A_243 = vector.shape_cast %swap3A_242 : vector<1x16xf32> to vector<16xf32>
          %swap3A_244 = vector.shape_cast %select_n3A_236 : vector<16xf32> to vector<1x16xf32>
          tpu.vector_store %arg5[%swap3A_240, %swap3A_241], %swap3A_244 {strides = array<i32>} : memref<8x4096xf32, #tpu.memory_space<vmem>>, vector<1x16xf32>,
          %scan3A_245 = arith.constant 6 : i32
          %scan3A_246 = arith.addi %scan3A_112, %scan3A_245 : i32
          %mul3A_247 = arith.constant 16 : i32
          %mul3A_248 = arith.muli %scan3A_246, %mul3A_247 : i32
          %add3A_249 = arith.addi %mul3A_31, %mul3A_248 : i32
          %get3A_250 = arith.index_cast %add3A_249 : i32 to index
          %get3A_251 = tpu.vector_load %arg4[%get3A_250] {strides = array<i32>} : memref<81920xi32, #tpu.memory_space<vmem>>, vector<16xi32>,
          %get3A_252 = vector.shape_cast %get3A_251 : vector<16xi32> to vector<16xi32>
          %eq3A_253 = vector.broadcast %sub3A_46 : i32 to vector<16xi32>
          %eq3A_254 = arith.cmpi eq, %get3A_252, %eq3A_253 : vector<16xi32>
          %jit3A_255 = arith.constant 1.000000e+00 : f32
          %jit3A_256 = arith.constant 0.000000e+00 : f32
          %broadcast_in_dim3A_257 = vector.broadcast %jit3A_255 : f32 to vector<16xf32>
          %broadcast_in_dim3A_258 = vector.broadcast %jit3A_256 : f32 to vector<16xf32>
          %select_n3A_259 = arith.select %eq3A_254, %broadcast_in_dim3A_257, %broadcast_in_dim3A_258 : vector<16xi1>, vector<16xf32>
          %mul3A_260 = arith.constant 16 : i32
          %mul3A_261 = arith.muli %scan3A_246, %mul3A_260 : i32
          %swap3A_262 = arith.constant 1 : i32
          %swap3A_263 = arith.index_cast %swap3A_262 : i32 to index
          %swap3A_264 = arith.index_cast %mul3A_261 : i32 to index
          %swap3A_265 = tpu.vector_load %arg5[%swap3A_263, %swap3A_264] {strides = array<i32>} : memref<8x4096xf32, #tpu.memory_space<vmem>>, vector<1x16xf32>,
          %swap3A_266 = vector.shape_cast %swap3A_265 : vector<1x16xf32> to vector<16xf32>
          %swap3A_267 = vector.shape_cast %select_n3A_259 : vector<16xf32> to vector<1x16xf32>
          tpu.vector_store %arg5[%swap3A_263, %swap3A_264], %swap3A_267 {strides = array<i32>} : memref<8x4096xf32, #tpu.memory_space<vmem>>, vector<1x16xf32>,
          %scan3A_268 = arith.constant 7 : i32
          %scan3A_269 = arith.addi %scan3A_112, %scan3A_268 : i32
          %mul3A_270 = arith.constant 16 : i32
          %mul3A_271 = arith.muli %scan3A_269, %mul3A_270 : i32
          %add3A_272 = arith.addi %mul3A_31, %mul3A_271 : i32
          %get3A_273 = arith.index_cast %add3A_272 : i32 to index
          %get3A_274 = tpu.vector_load %arg4[%get3A_273] {strides = array<i32>} : memref<81920xi32, #tpu.memory_space<vmem>>, vector<16xi32>,
          %get3A_275 = vector.shape_cast %get3A_274 : vector<16xi32> to vector<16xi32>
          %eq3A_276 = vector.broadcast %sub3A_46 : i32 to vector<16xi32>
          %eq3A_277 = arith.cmpi eq, %get3A_275, %eq3A_276 : vector<16xi32>
          %jit3A_278 = arith.constant 1.000000e+00 : f32
          %jit3A_279 = arith.constant 0.000000e+00 : f32
          %broadcast_in_dim3A_280 = vector.broadcast %jit3A_278 : f32 to vector<16xf32>
          %broadcast_in_dim3A_281 = vector.broadcast %jit3A_279 : f32 to vector<16xf32>
          %select_n3A_282 = arith.select %eq3A_277, %broadcast_in_dim3A_280, %broadcast_in_dim3A_281 : vector<16xi1>, vector<16xf32>
          %mul3A_283 = arith.constant 16 : i32
          %mul3A_284 = arith.muli %scan3A_269, %mul3A_283 : i32
          %swap3A_285 = arith.constant 1 : i32
          %swap3A_286 = arith.index_cast %swap3A_285 : i32 to index
          %swap3A_287 = arith.index_cast %mul3A_284 : i32 to index
          %swap3A_288 = tpu.vector_load %arg5[%swap3A_286, %swap3A_287] {strides = array<i32>} : memref<8x4096xf32, #tpu.memory_space<vmem>>, vector<1x16xf32>,
          %swap3A_289 = vector.shape_cast %swap3A_288 : vector<1x16xf32> to vector<16xf32>
          %swap3A_290 = vector.shape_cast %select_n3A_282 : vector<16xf32> to vector<1x16xf32>
          tpu.vector_store %arg5[%swap3A_286, %swap3A_287], %swap3A_290 {strides = array<i32>} : memref<8x4096xf32, #tpu.memory_space<vmem>>, vector<1x16xf32>,
        }
        %scan3A_51 = arith.constant 256 : i32
        %add3A_52 = arith.constant 2 : i32
        %add3A_53 = arith.addi %mul3A_13, %add3A_52 : i32
        %mul3A_54 = arith.constant 1000 : i32
        %mul3A_55 = arith.muli %select_n3A, %mul3A_54 : i32
        %sub3A_56 = arith.subi %add3A_53, %mul3A_55 : i32
        %scan3A_57 = arith.constant 0 : i32
        %scan3A_58 = arith.constant 256 : i32
        %scan3A_59 = arith.addi %scan3A_57, %scan3A_58 : i32
        %scan3A_60 = arith.constant 8 : i32
        scf.for %scan3A_112 = %scan3A_57 to %scan3A_59 step %scan3A_60  : i32 {
          %mul3A_113 = arith.constant 16 : i32
          %mul3A_114 = arith.muli %scan3A_112, %mul3A_113 : i32
          %add3A_115 = arith.addi %mul3A_31, %mul3A_114 : i32
          %get3A = arith.index_cast %add3A_115 : i32 to index
          %get3A_116 = tpu.vector_load %arg4[%get3A] {strides = array<i32>} : memref<81920xi32, #tpu.memory_space<vmem>>, vector<16xi32>,
          %get3A_117 = vector.shape_cast %get3A_116 : vector<16xi32> to vector<16xi32>
          %eq3A = vector.broadcast %sub3A_56 : i32 to vector<16xi32>
          %eq3A_118 = arith.cmpi eq, %get3A_117, %eq3A : vector<16xi32>
          %jit3A_119 = arith.constant 1.000000e+00 : f32
          %jit3A_120 = arith.constant 0.000000e+00 : f32
          %broadcast_in_dim3A = vector.broadcast %jit3A_119 : f32 to vector<16xf32>
          %broadcast_in_dim3A_121 = vector.broadcast %jit3A_120 : f32 to vector<16xf32>
          %select_n3A_122 = arith.select %eq3A_118, %broadcast_in_dim3A, %broadcast_in_dim3A_121 : vector<16xi1>, vector<16xf32>
          %mul3A_123 = arith.constant 16 : i32
          %mul3A_124 = arith.muli %scan3A_112, %mul3A_123 : i32
          %swap3A = arith.constant 2 : i32
          %swap3A_125 = arith.index_cast %swap3A : i32 to index
          %swap3A_126 = arith.index_cast %mul3A_124 : i32 to index
          %swap3A_127 = tpu.vector_load %arg5[%swap3A_125, %swap3A_126] {strides = array<i32>} : memref<8x4096xf32, #tpu.memory_space<vmem>>, vector<1x16xf32>,
          %swap3A_128 = vector.shape_cast %swap3A_127 : vector<1x16xf32> to vector<16xf32>
          %swap3A_129 = vector.shape_cast %select_n3A_122 : vector<16xf32> to vector<1x16xf32>
          tpu.vector_store %arg5[%swap3A_125, %swap3A_126], %swap3A_129 {strides = array<i32>} : memref<8x4096xf32, #tpu.memory_space<vmem>>, vector<1x16xf32>,
          %scan3A_130 = arith.constant 1 : i32
          %scan3A_131 = arith.addi %scan3A_112, %scan3A_130 : i32
          %mul3A_132 = arith.constant 16 : i32
          %mul3A_133 = arith.muli %scan3A_131, %mul3A_132 : i32
          %add3A_134 = arith.addi %mul3A_31, %mul3A_133 : i32
          %get3A_135 = arith.index_cast %add3A_134 : i32 to index
          %get3A_136 = tpu.vector_load %arg4[%get3A_135] {strides = array<i32>} : memref<81920xi32, #tpu.memory_space<vmem>>, vector<16xi32>,
          %get3A_137 = vector.shape_cast %get3A_136 : vector<16xi32> to vector<16xi32>
          %eq3A_138 = vector.broadcast %sub3A_56 : i32 to vector<16xi32>
          %eq3A_139 = arith.cmpi eq, %get3A_137, %eq3A_138 : vector<16xi32>
          %jit3A_140 = arith.constant 1.000000e+00 : f32
          %jit3A_141 = arith.constant 0.000000e+00 : f32
          %broadcast_in_dim3A_142 = vector.broadcast %jit3A_140 : f32 to vector<16xf32>
          %broadcast_in_dim3A_143 = vector.broadcast %jit3A_141 : f32 to vector<16xf32>
          %select_n3A_144 = arith.select %eq3A_139, %broadcast_in_dim3A_142, %broadcast_in_dim3A_143 : vector<16xi1>, vector<16xf32>
          %mul3A_145 = arith.constant 16 : i32
          %mul3A_146 = arith.muli %scan3A_131, %mul3A_145 : i32
          %swap3A_147 = arith.constant 2 : i32
          %swap3A_148 = arith.index_cast %swap3A_147 : i32 to index
          %swap3A_149 = arith.index_cast %mul3A_146 : i32 to index
          %swap3A_150 = tpu.vector_load %arg5[%swap3A_148, %swap3A_149] {strides = array<i32>} : memref<8x4096xf32, #tpu.memory_space<vmem>>, vector<1x16xf32>,
          %swap3A_151 = vector.shape_cast %swap3A_150 : vector<1x16xf32> to vector<16xf32>
          %swap3A_152 = vector.shape_cast %select_n3A_144 : vector<16xf32> to vector<1x16xf32>
          tpu.vector_store %arg5[%swap3A_148, %swap3A_149], %swap3A_152 {strides = array<i32>} : memref<8x4096xf32, #tpu.memory_space<vmem>>, vector<1x16xf32>,
          %scan3A_153 = arith.constant 2 : i32
          %scan3A_154 = arith.addi %scan3A_112, %scan3A_153 : i32
          %mul3A_155 = arith.constant 16 : i32
          %mul3A_156 = arith.muli %scan3A_154, %mul3A_155 : i32
          %add3A_157 = arith.addi %mul3A_31, %mul3A_156 : i32
          %get3A_158 = arith.index_cast %add3A_157 : i32 to index
          %get3A_159 = tpu.vector_load %arg4[%get3A_158] {strides = array<i32>} : memref<81920xi32, #tpu.memory_space<vmem>>, vector<16xi32>,
          %get3A_160 = vector.shape_cast %get3A_159 : vector<16xi32> to vector<16xi32>
          %eq3A_161 = vector.broadcast %sub3A_56 : i32 to vector<16xi32>
          %eq3A_162 = arith.cmpi eq, %get3A_160, %eq3A_161 : vector<16xi32>
          %jit3A_163 = arith.constant 1.000000e+00 : f32
          %jit3A_164 = arith.constant 0.000000e+00 : f32
          %broadcast_in_dim3A_165 = vector.broadcast %jit3A_163 : f32 to vector<16xf32>
          %broadcast_in_dim3A_166 = vector.broadcast %jit3A_164 : f32 to vector<16xf32>
          %select_n3A_167 = arith.select %eq3A_162, %broadcast_in_dim3A_165, %broadcast_in_dim3A_166 : vector<16xi1>, vector<16xf32>
          %mul3A_168 = arith.constant 16 : i32
          %mul3A_169 = arith.muli %scan3A_154, %mul3A_168 : i32
          %swap3A_170 = arith.constant 2 : i32
          %swap3A_171 = arith.index_cast %swap3A_170 : i32 to index
          %swap3A_172 = arith.index_cast %mul3A_169 : i32 to index
          %swap3A_173 = tpu.vector_load %arg5[%swap3A_171, %swap3A_172] {strides = array<i32>} : memref<8x4096xf32, #tpu.memory_space<vmem>>, vector<1x16xf32>,
          %swap3A_174 = vector.shape_cast %swap3A_173 : vector<1x16xf32> to vector<16xf32>
          %swap3A_175 = vector.shape_cast %select_n3A_167 : vector<16xf32> to vector<1x16xf32>
          tpu.vector_store %arg5[%swap3A_171, %swap3A_172], %swap3A_175 {strides = array<i32>} : memref<8x4096xf32, #tpu.memory_space<vmem>>, vector<1x16xf32>,
          %scan3A_176 = arith.constant 3 : i32
          %scan3A_177 = arith.addi %scan3A_112, %scan3A_176 : i32
          %mul3A_178 = arith.constant 16 : i32
          %mul3A_179 = arith.muli %scan3A_177, %mul3A_178 : i32
          %add3A_180 = arith.addi %mul3A_31, %mul3A_179 : i32
          %get3A_181 = arith.index_cast %add3A_180 : i32 to index
          %get3A_182 = tpu.vector_load %arg4[%get3A_181] {strides = array<i32>} : memref<81920xi32, #tpu.memory_space<vmem>>, vector<16xi32>,
          %get3A_183 = vector.shape_cast %get3A_182 : vector<16xi32> to vector<16xi32>
          %eq3A_184 = vector.broadcast %sub3A_56 : i32 to vector<16xi32>
          %eq3A_185 = arith.cmpi eq, %get3A_183, %eq3A_184 : vector<16xi32>
          %jit3A_186 = arith.constant 1.000000e+00 : f32
          %jit3A_187 = arith.constant 0.000000e+00 : f32
          %broadcast_in_dim3A_188 = vector.broadcast %jit3A_186 : f32 to vector<16xf32>
          %broadcast_in_dim3A_189 = vector.broadcast %jit3A_187 : f32 to vector<16xf32>
          %select_n3A_190 = arith.select %eq3A_185, %broadcast_in_dim3A_188, %broadcast_in_dim3A_189 : vector<16xi1>, vector<16xf32>
          %mul3A_191 = arith.constant 16 : i32
          %mul3A_192 = arith.muli %scan3A_177, %mul3A_191 : i32
          %swap3A_193 = arith.constant 2 : i32
          %swap3A_194 = arith.index_cast %swap3A_193 : i32 to index
          %swap3A_195 = arith.index_cast %mul3A_192 : i32 to index
          %swap3A_196 = tpu.vector_load %arg5[%swap3A_194, %swap3A_195] {strides = array<i32>} : memref<8x4096xf32, #tpu.memory_space<vmem>>, vector<1x16xf32>,
          %swap3A_197 = vector.shape_cast %swap3A_196 : vector<1x16xf32> to vector<16xf32>
          %swap3A_198 = vector.shape_cast %select_n3A_190 : vector<16xf32> to vector<1x16xf32>
          tpu.vector_store %arg5[%swap3A_194, %swap3A_195], %swap3A_198 {strides = array<i32>} : memref<8x4096xf32, #tpu.memory_space<vmem>>, vector<1x16xf32>,
          %scan3A_199 = arith.constant 4 : i32
          %scan3A_200 = arith.addi %scan3A_112, %scan3A_199 : i32
          %mul3A_201 = arith.constant 16 : i32
          %mul3A_202 = arith.muli %scan3A_200, %mul3A_201 : i32
          %add3A_203 = arith.addi %mul3A_31, %mul3A_202 : i32
          %get3A_204 = arith.index_cast %add3A_203 : i32 to index
          %get3A_205 = tpu.vector_load %arg4[%get3A_204] {strides = array<i32>} : memref<81920xi32, #tpu.memory_space<vmem>>, vector<16xi32>,
          %get3A_206 = vector.shape_cast %get3A_205 : vector<16xi32> to vector<16xi32>
          %eq3A_207 = vector.broadcast %sub3A_56 : i32 to vector<16xi32>
          %eq3A_208 = arith.cmpi eq, %get3A_206, %eq3A_207 : vector<16xi32>
          %jit3A_209 = arith.constant 1.000000e+00 : f32
          %jit3A_210 = arith.constant 0.000000e+00 : f32
          %broadcast_in_dim3A_211 = vector.broadcast %jit3A_209 : f32 to vector<16xf32>
          %broadcast_in_dim3A_212 = vector.broadcast %jit3A_210 : f32 to vector<16xf32>
          %select_n3A_213 = arith.select %eq3A_208, %broadcast_in_dim3A_211, %broadcast_in_dim3A_212 : vector<16xi1>, vector<16xf32>
          %mul3A_214 = arith.constant 16 : i32
          %mul3A_215 = arith.muli %scan3A_200, %mul3A_214 : i32
          %swap3A_216 = arith.constant 2 : i32
          %swap3A_217 = arith.index_cast %swap3A_216 : i32 to index
          %swap3A_218 = arith.index_cast %mul3A_215 : i32 to index
          %swap3A_219 = tpu.vector_load %arg5[%swap3A_217, %swap3A_218] {strides = array<i32>} : memref<8x4096xf32, #tpu.memory_space<vmem>>, vector<1x16xf32>,
          %swap3A_220 = vector.shape_cast %swap3A_219 : vector<1x16xf32> to vector<16xf32>
          %swap3A_221 = vector.shape_cast %select_n3A_213 : vector<16xf32> to vector<1x16xf32>
          tpu.vector_store %arg5[%swap3A_217, %swap3A_218], %swap3A_221 {strides = array<i32>} : memref<8x4096xf32, #tpu.memory_space<vmem>>, vector<1x16xf32>,
          %scan3A_222 = arith.constant 5 : i32
          %scan3A_223 = arith.addi %scan3A_112, %scan3A_222 : i32
          %mul3A_224 = arith.constant 16 : i32
          %mul3A_225 = arith.muli %scan3A_223, %mul3A_224 : i32
          %add3A_226 = arith.addi %mul3A_31, %mul3A_225 : i32
          %get3A_227 = arith.index_cast %add3A_226 : i32 to index
          %get3A_228 = tpu.vector_load %arg4[%get3A_227] {strides = array<i32>} : memref<81920xi32, #tpu.memory_space<vmem>>, vector<16xi32>,
          %get3A_229 = vector.shape_cast %get3A_228 : vector<16xi32> to vector<16xi32>
          %eq3A_230 = vector.broadcast %sub3A_56 : i32 to vector<16xi32>
          %eq3A_231 = arith.cmpi eq, %get3A_229, %eq3A_230 : vector<16xi32>
          %jit3A_232 = arith.constant 1.000000e+00 : f32
          %jit3A_233 = arith.constant 0.000000e+00 : f32
          %broadcast_in_dim3A_234 = vector.broadcast %jit3A_232 : f32 to vector<16xf32>
          %broadcast_in_dim3A_235 = vector.broadcast %jit3A_233 : f32 to vector<16xf32>
          %select_n3A_236 = arith.select %eq3A_231, %broadcast_in_dim3A_234, %broadcast_in_dim3A_235 : vector<16xi1>, vector<16xf32>
          %mul3A_237 = arith.constant 16 : i32
          %mul3A_238 = arith.muli %scan3A_223, %mul3A_237 : i32
          %swap3A_239 = arith.constant 2 : i32
          %swap3A_240 = arith.index_cast %swap3A_239 : i32 to index
          %swap3A_241 = arith.index_cast %mul3A_238 : i32 to index
          %swap3A_242 = tpu.vector_load %arg5[%swap3A_240, %swap3A_241] {strides = array<i32>} : memref<8x4096xf32, #tpu.memory_space<vmem>>, vector<1x16xf32>,
          %swap3A_243 = vector.shape_cast %swap3A_242 : vector<1x16xf32> to vector<16xf32>
          %swap3A_244 = vector.shape_cast %select_n3A_236 : vector<16xf32> to vector<1x16xf32>
          tpu.vector_store %arg5[%swap3A_240, %swap3A_241], %swap3A_244 {strides = array<i32>} : memref<8x4096xf32, #tpu.memory_space<vmem>>, vector<1x16xf32>,
          %scan3A_245 = arith.constant 6 : i32
          %scan3A_246 = arith.addi %scan3A_112, %scan3A_245 : i32
          %mul3A_247 = arith.constant 16 : i32
          %mul3A_248 = arith.muli %scan3A_246, %mul3A_247 : i32
          %add3A_249 = arith.addi %mul3A_31, %mul3A_248 : i32
          %get3A_250 = arith.index_cast %add3A_249 : i32 to index
          %get3A_251 = tpu.vector_load %arg4[%get3A_250] {strides = array<i32>} : memref<81920xi32, #tpu.memory_space<vmem>>, vector<16xi32>,
          %get3A_252 = vector.shape_cast %get3A_251 : vector<16xi32> to vector<16xi32>
          %eq3A_253 = vector.broadcast %sub3A_56 : i32 to vector<16xi32>
          %eq3A_254 = arith.cmpi eq, %get3A_252, %eq3A_253 : vector<16xi32>
          %jit3A_255 = arith.constant 1.000000e+00 : f32
          %jit3A_256 = arith.constant 0.000000e+00 : f32
          %broadcast_in_dim3A_257 = vector.broadcast %jit3A_255 : f32 to vector<16xf32>
          %broadcast_in_dim3A_258 = vector.broadcast %jit3A_256 : f32 to vector<16xf32>
          %select_n3A_259 = arith.select %eq3A_254, %broadcast_in_dim3A_257, %broadcast_in_dim3A_258 : vector<16xi1>, vector<16xf32>
          %mul3A_260 = arith.constant 16 : i32
          %mul3A_261 = arith.muli %scan3A_246, %mul3A_260 : i32
          %swap3A_262 = arith.constant 2 : i32
          %swap3A_263 = arith.index_cast %swap3A_262 : i32 to index
          %swap3A_264 = arith.index_cast %mul3A_261 : i32 to index
          %swap3A_265 = tpu.vector_load %arg5[%swap3A_263, %swap3A_264] {strides = array<i32>} : memref<8x4096xf32, #tpu.memory_space<vmem>>, vector<1x16xf32>,
          %swap3A_266 = vector.shape_cast %swap3A_265 : vector<1x16xf32> to vector<16xf32>
          %swap3A_267 = vector.shape_cast %select_n3A_259 : vector<16xf32> to vector<1x16xf32>
          tpu.vector_store %arg5[%swap3A_263, %swap3A_264], %swap3A_267 {strides = array<i32>} : memref<8x4096xf32, #tpu.memory_space<vmem>>, vector<1x16xf32>,
          %scan3A_268 = arith.constant 7 : i32
          %scan3A_269 = arith.addi %scan3A_112, %scan3A_268 : i32
          %mul3A_270 = arith.constant 16 : i32
          %mul3A_271 = arith.muli %scan3A_269, %mul3A_270 : i32
          %add3A_272 = arith.addi %mul3A_31, %mul3A_271 : i32
          %get3A_273 = arith.index_cast %add3A_272 : i32 to index
          %get3A_274 = tpu.vector_load %arg4[%get3A_273] {strides = array<i32>} : memref<81920xi32, #tpu.memory_space<vmem>>, vector<16xi32>,
          %get3A_275 = vector.shape_cast %get3A_274 : vector<16xi32> to vector<16xi32>
          %eq3A_276 = vector.broadcast %sub3A_56 : i32 to vector<16xi32>
          %eq3A_277 = arith.cmpi eq, %get3A_275, %eq3A_276 : vector<16xi32>
          %jit3A_278 = arith.constant 1.000000e+00 : f32
          %jit3A_279 = arith.constant 0.000000e+00 : f32
          %broadcast_in_dim3A_280 = vector.broadcast %jit3A_278 : f32 to vector<16xf32>
          %broadcast_in_dim3A_281 = vector.broadcast %jit3A_279 : f32 to vector<16xf32>
          %select_n3A_282 = arith.select %eq3A_277, %broadcast_in_dim3A_280, %broadcast_in_dim3A_281 : vector<16xi1>, vector<16xf32>
          %mul3A_283 = arith.constant 16 : i32
          %mul3A_284 = arith.muli %scan3A_269, %mul3A_283 : i32
          %swap3A_285 = arith.constant 2 : i32
          %swap3A_286 = arith.index_cast %swap3A_285 : i32 to index
          %swap3A_287 = arith.index_cast %mul3A_284 : i32 to index
          %swap3A_288 = tpu.vector_load %arg5[%swap3A_286, %swap3A_287] {strides = array<i32>} : memref<8x4096xf32, #tpu.memory_space<vmem>>, vector<1x16xf32>,
          %swap3A_289 = vector.shape_cast %swap3A_288 : vector<1x16xf32> to vector<16xf32>
          %swap3A_290 = vector.shape_cast %select_n3A_282 : vector<16xf32> to vector<1x16xf32>
          tpu.vector_store %arg5[%swap3A_286, %swap3A_287], %swap3A_290 {strides = array<i32>} : memref<8x4096xf32, #tpu.memory_space<vmem>>, vector<1x16xf32>,
        }
        %scan3A_61 = arith.constant 256 : i32
        %add3A_62 = arith.constant 3 : i32
        %add3A_63 = arith.addi %mul3A_13, %add3A_62 : i32
        %mul3A_64 = arith.constant 1000 : i32
        %mul3A_65 = arith.muli %select_n3A, %mul3A_64 : i32
        %sub3A_66 = arith.subi %add3A_63, %mul3A_65 : i32
        %scan3A_67 = arith.constant 0 : i32
        %scan3A_68 = arith.constant 256 : i32
        %scan3A_69 = arith.addi %scan3A_67, %scan3A_68 : i32
        %scan3A_70 = arith.constant 8 : i32
        scf.for %scan3A_112 = %scan3A_67 to %scan3A_69 step %scan3A_70  : i32 {
          %mul3A_113 = arith.constant 16 : i32
          %mul3A_114 = arith.muli %scan3A_112, %mul3A_113 : i32
          %add3A_115 = arith.addi %mul3A_31, %mul3A_114 : i32
          %get3A = arith.index_cast %add3A_115 : i32 to index
          %get3A_116 = tpu.vector_load %arg4[%get3A] {strides = array<i32>} : memref<81920xi32, #tpu.memory_space<vmem>>, vector<16xi32>,
          %get3A_117 = vector.shape_cast %get3A_116 : vector<16xi32> to vector<16xi32>
          %eq3A = vector.broadcast %sub3A_66 : i32 to vector<16xi32>
          %eq3A_118 = arith.cmpi eq, %get3A_117, %eq3A : vector<16xi32>
          %jit3A_119 = arith.constant 1.000000e+00 : f32
          %jit3A_120 = arith.constant 0.000000e+00 : f32
          %broadcast_in_dim3A = vector.broadcast %jit3A_119 : f32 to vector<16xf32>
          %broadcast_in_dim3A_121 = vector.broadcast %jit3A_120 : f32 to vector<16xf32>
          %select_n3A_122 = arith.select %eq3A_118, %broadcast_in_dim3A, %broadcast_in_dim3A_121 : vector<16xi1>, vector<16xf32>
          %mul3A_123 = arith.constant 16 : i32
          %mul3A_124 = arith.muli %scan3A_112, %mul3A_123 : i32
          %swap3A = arith.constant 3 : i32
          %swap3A_125 = arith.index_cast %swap3A : i32 to index
          %swap3A_126 = arith.index_cast %mul3A_124 : i32 to index
          %swap3A_127 = tpu.vector_load %arg5[%swap3A_125, %swap3A_126] {strides = array<i32>} : memref<8x4096xf32, #tpu.memory_space<vmem>>, vector<1x16xf32>,
          %swap3A_128 = vector.shape_cast %swap3A_127 : vector<1x16xf32> to vector<16xf32>
          %swap3A_129 = vector.shape_cast %select_n3A_122 : vector<16xf32> to vector<1x16xf32>
          tpu.vector_store %arg5[%swap3A_125, %swap3A_126], %swap3A_129 {strides = array<i32>} : memref<8x4096xf32, #tpu.memory_space<vmem>>, vector<1x16xf32>,
          %scan3A_130 = arith.constant 1 : i32
          %scan3A_131 = arith.addi %scan3A_112, %scan3A_130 : i32
          %mul3A_132 = arith.constant 16 : i32
          %mul3A_133 = arith.muli %scan3A_131, %mul3A_132 : i32
          %add3A_134 = arith.addi %mul3A_31, %mul3A_133 : i32
          %get3A_135 = arith.index_cast %add3A_134 : i32 to index
          %get3A_136 = tpu.vector_load %arg4[%get3A_135] {strides = array<i32>} : memref<81920xi32, #tpu.memory_space<vmem>>, vector<16xi32>,
          %get3A_137 = vector.shape_cast %get3A_136 : vector<16xi32> to vector<16xi32>
          %eq3A_138 = vector.broadcast %sub3A_66 : i32 to vector<16xi32>
          %eq3A_139 = arith.cmpi eq, %get3A_137, %eq3A_138 : vector<16xi32>
          %jit3A_140 = arith.constant 1.000000e+00 : f32
          %jit3A_141 = arith.constant 0.000000e+00 : f32
          %broadcast_in_dim3A_142 = vector.broadcast %jit3A_140 : f32 to vector<16xf32>
          %broadcast_in_dim3A_143 = vector.broadcast %jit3A_141 : f32 to vector<16xf32>
          %select_n3A_144 = arith.select %eq3A_139, %broadcast_in_dim3A_142, %broadcast_in_dim3A_143 : vector<16xi1>, vector<16xf32>
          %mul3A_145 = arith.constant 16 : i32
          %mul3A_146 = arith.muli %scan3A_131, %mul3A_145 : i32
          %swap3A_147 = arith.constant 3 : i32
          %swap3A_148 = arith.index_cast %swap3A_147 : i32 to index
          %swap3A_149 = arith.index_cast %mul3A_146 : i32 to index
          %swap3A_150 = tpu.vector_load %arg5[%swap3A_148, %swap3A_149] {strides = array<i32>} : memref<8x4096xf32, #tpu.memory_space<vmem>>, vector<1x16xf32>,
          %swap3A_151 = vector.shape_cast %swap3A_150 : vector<1x16xf32> to vector<16xf32>
          %swap3A_152 = vector.shape_cast %select_n3A_144 : vector<16xf32> to vector<1x16xf32>
          tpu.vector_store %arg5[%swap3A_148, %swap3A_149], %swap3A_152 {strides = array<i32>} : memref<8x4096xf32, #tpu.memory_space<vmem>>, vector<1x16xf32>,
          %scan3A_153 = arith.constant 2 : i32
          %scan3A_154 = arith.addi %scan3A_112, %scan3A_153 : i32
          %mul3A_155 = arith.constant 16 : i32
          %mul3A_156 = arith.muli %scan3A_154, %mul3A_155 : i32
          %add3A_157 = arith.addi %mul3A_31, %mul3A_156 : i32
          %get3A_158 = arith.index_cast %add3A_157 : i32 to index
          %get3A_159 = tpu.vector_load %arg4[%get3A_158] {strides = array<i32>} : memref<81920xi32, #tpu.memory_space<vmem>>, vector<16xi32>,
          %get3A_160 = vector.shape_cast %get3A_159 : vector<16xi32> to vector<16xi32>
          %eq3A_161 = vector.broadcast %sub3A_66 : i32 to vector<16xi32>
          %eq3A_162 = arith.cmpi eq, %get3A_160, %eq3A_161 : vector<16xi32>
          %jit3A_163 = arith.constant 1.000000e+00 : f32
          %jit3A_164 = arith.constant 0.000000e+00 : f32
          %broadcast_in_dim3A_165 = vector.broadcast %jit3A_163 : f32 to vector<16xf32>
          %broadcast_in_dim3A_166 = vector.broadcast %jit3A_164 : f32 to vector<16xf32>
          %select_n3A_167 = arith.select %eq3A_162, %broadcast_in_dim3A_165, %broadcast_in_dim3A_166 : vector<16xi1>, vector<16xf32>
          %mul3A_168 = arith.constant 16 : i32
          %mul3A_169 = arith.muli %scan3A_154, %mul3A_168 : i32
          %swap3A_170 = arith.constant 3 : i32
          %swap3A_171 = arith.index_cast %swap3A_170 : i32 to index
          %swap3A_172 = arith.index_cast %mul3A_169 : i32 to index
          %swap3A_173 = tpu.vector_load %arg5[%swap3A_171, %swap3A_172] {strides = array<i32>} : memref<8x4096xf32, #tpu.memory_space<vmem>>, vector<1x16xf32>,
          %swap3A_174 = vector.shape_cast %swap3A_173 : vector<1x16xf32> to vector<16xf32>
          %swap3A_175 = vector.shape_cast %select_n3A_167 : vector<16xf32> to vector<1x16xf32>
          tpu.vector_store %arg5[%swap3A_171, %swap3A_172], %swap3A_175 {strides = array<i32>} : memref<8x4096xf32, #tpu.memory_space<vmem>>, vector<1x16xf32>,
          %scan3A_176 = arith.constant 3 : i32
          %scan3A_177 = arith.addi %scan3A_112, %scan3A_176 : i32
          %mul3A_178 = arith.constant 16 : i32
          %mul3A_179 = arith.muli %scan3A_177, %mul3A_178 : i32
          %add3A_180 = arith.addi %mul3A_31, %mul3A_179 : i32
          %get3A_181 = arith.index_cast %add3A_180 : i32 to index
          %get3A_182 = tpu.vector_load %arg4[%get3A_181] {strides = array<i32>} : memref<81920xi32, #tpu.memory_space<vmem>>, vector<16xi32>,
          %get3A_183 = vector.shape_cast %get3A_182 : vector<16xi32> to vector<16xi32>
          %eq3A_184 = vector.broadcast %sub3A_66 : i32 to vector<16xi32>
          %eq3A_185 = arith.cmpi eq, %get3A_183, %eq3A_184 : vector<16xi32>
          %jit3A_186 = arith.constant 1.000000e+00 : f32
          %jit3A_187 = arith.constant 0.000000e+00 : f32
          %broadcast_in_dim3A_188 = vector.broadcast %jit3A_186 : f32 to vector<16xf32>
          %broadcast_in_dim3A_189 = vector.broadcast %jit3A_187 : f32 to vector<16xf32>
          %select_n3A_190 = arith.select %eq3A_185, %broadcast_in_dim3A_188, %broadcast_in_dim3A_189 : vector<16xi1>, vector<16xf32>
          %mul3A_191 = arith.constant 16 : i32
          %mul3A_192 = arith.muli %scan3A_177, %mul3A_191 : i32
          %swap3A_193 = arith.constant 3 : i32
          %swap3A_194 = arith.index_cast %swap3A_193 : i32 to index
          %swap3A_195 = arith.index_cast %mul3A_192 : i32 to index
          %swap3A_196 = tpu.vector_load %arg5[%swap3A_194, %swap3A_195] {strides = array<i32>} : memref<8x4096xf32, #tpu.memory_space<vmem>>, vector<1x16xf32>,
          %swap3A_197 = vector.shape_cast %swap3A_196 : vector<1x16xf32> to vector<16xf32>
          %swap3A_198 = vector.shape_cast %select_n3A_190 : vector<16xf32> to vector<1x16xf32>
          tpu.vector_store %arg5[%swap3A_194, %swap3A_195], %swap3A_198 {strides = array<i32>} : memref<8x4096xf32, #tpu.memory_space<vmem>>, vector<1x16xf32>,
          %scan3A_199 = arith.constant 4 : i32
          %scan3A_200 = arith.addi %scan3A_112, %scan3A_199 : i32
          %mul3A_201 = arith.constant 16 : i32
          %mul3A_202 = arith.muli %scan3A_200, %mul3A_201 : i32
          %add3A_203 = arith.addi %mul3A_31, %mul3A_202 : i32
          %get3A_204 = arith.index_cast %add3A_203 : i32 to index
          %get3A_205 = tpu.vector_load %arg4[%get3A_204] {strides = array<i32>} : memref<81920xi32, #tpu.memory_space<vmem>>, vector<16xi32>,
          %get3A_206 = vector.shape_cast %get3A_205 : vector<16xi32> to vector<16xi32>
          %eq3A_207 = vector.broadcast %sub3A_66 : i32 to vector<16xi32>
          %eq3A_208 = arith.cmpi eq, %get3A_206, %eq3A_207 : vector<16xi32>
          %jit3A_209 = arith.constant 1.000000e+00 : f32
          %jit3A_210 = arith.constant 0.000000e+00 : f32
          %broadcast_in_dim3A_211 = vector.broadcast %jit3A_209 : f32 to vector<16xf32>
          %broadcast_in_dim3A_212 = vector.broadcast %jit3A_210 : f32 to vector<16xf32>
          %select_n3A_213 = arith.select %eq3A_208, %broadcast_in_dim3A_211, %broadcast_in_dim3A_212 : vector<16xi1>, vector<16xf32>
          %mul3A_214 = arith.constant 16 : i32
          %mul3A_215 = arith.muli %scan3A_200, %mul3A_214 : i32
          %swap3A_216 = arith.constant 3 : i32
          %swap3A_217 = arith.index_cast %swap3A_216 : i32 to index
          %swap3A_218 = arith.index_cast %mul3A_215 : i32 to index
          %swap3A_219 = tpu.vector_load %arg5[%swap3A_217, %swap3A_218] {strides = array<i32>} : memref<8x4096xf32, #tpu.memory_space<vmem>>, vector<1x16xf32>,
          %swap3A_220 = vector.shape_cast %swap3A_219 : vector<1x16xf32> to vector<16xf32>
          %swap3A_221 = vector.shape_cast %select_n3A_213 : vector<16xf32> to vector<1x16xf32>
          tpu.vector_store %arg5[%swap3A_217, %swap3A_218], %swap3A_221 {strides = array<i32>} : memref<8x4096xf32, #tpu.memory_space<vmem>>, vector<1x16xf32>,
          %scan3A_222 = arith.constant 5 : i32
          %scan3A_223 = arith.addi %scan3A_112, %scan3A_222 : i32
          %mul3A_224 = arith.constant 16 : i32
          %mul3A_225 = arith.muli %scan3A_223, %mul3A_224 : i32
          %add3A_226 = arith.addi %mul3A_31, %mul3A_225 : i32
          %get3A_227 = arith.index_cast %add3A_226 : i32 to index
          %get3A_228 = tpu.vector_load %arg4[%get3A_227] {strides = array<i32>} : memref<81920xi32, #tpu.memory_space<vmem>>, vector<16xi32>,
          %get3A_229 = vector.shape_cast %get3A_228 : vector<16xi32> to vector<16xi32>
          %eq3A_230 = vector.broadcast %sub3A_66 : i32 to vector<16xi32>
          %eq3A_231 = arith.cmpi eq, %get3A_229, %eq3A_230 : vector<16xi32>
          %jit3A_232 = arith.constant 1.000000e+00 : f32
          %jit3A_233 = arith.constant 0.000000e+00 : f32
          %broadcast_in_dim3A_234 = vector.broadcast %jit3A_232 : f32 to vector<16xf32>
          %broadcast_in_dim3A_235 = vector.broadcast %jit3A_233 : f32 to vector<16xf32>
          %select_n3A_236 = arith.select %eq3A_231, %broadcast_in_dim3A_234, %broadcast_in_dim3A_235 : vector<16xi1>, vector<16xf32>
          %mul3A_237 = arith.constant 16 : i32
          %mul3A_238 = arith.muli %scan3A_223, %mul3A_237 : i32
          %swap3A_239 = arith.constant 3 : i32
          %swap3A_240 = arith.index_cast %swap3A_239 : i32 to index
          %swap3A_241 = arith.index_cast %mul3A_238 : i32 to index
          %swap3A_242 = tpu.vector_load %arg5[%swap3A_240, %swap3A_241] {strides = array<i32>} : memref<8x4096xf32, #tpu.memory_space<vmem>>, vector<1x16xf32>,
          %swap3A_243 = vector.shape_cast %swap3A_242 : vector<1x16xf32> to vector<16xf32>
          %swap3A_244 = vector.shape_cast %select_n3A_236 : vector<16xf32> to vector<1x16xf32>
          tpu.vector_store %arg5[%swap3A_240, %swap3A_241], %swap3A_244 {strides = array<i32>} : memref<8x4096xf32, #tpu.memory_space<vmem>>, vector<1x16xf32>,
          %scan3A_245 = arith.constant 6 : i32
          %scan3A_246 = arith.addi %scan3A_112, %scan3A_245 : i32
          %mul3A_247 = arith.constant 16 : i32
          %mul3A_248 = arith.muli %scan3A_246, %mul3A_247 : i32
          %add3A_249 = arith.addi %mul3A_31, %mul3A_248 : i32
          %get3A_250 = arith.index_cast %add3A_249 : i32 to index
          %get3A_251 = tpu.vector_load %arg4[%get3A_250] {strides = array<i32>} : memref<81920xi32, #tpu.memory_space<vmem>>, vector<16xi32>,
          %get3A_252 = vector.shape_cast %get3A_251 : vector<16xi32> to vector<16xi32>
          %eq3A_253 = vector.broadcast %sub3A_66 : i32 to vector<16xi32>
          %eq3A_254 = arith.cmpi eq, %get3A_252, %eq3A_253 : vector<16xi32>
          %jit3A_255 = arith.constant 1.000000e+00 : f32
          %jit3A_256 = arith.constant 0.000000e+00 : f32
          %broadcast_in_dim3A_257 = vector.broadcast %jit3A_255 : f32 to vector<16xf32>
          %broadcast_in_dim3A_258 = vector.broadcast %jit3A_256 : f32 to vector<16xf32>
          %select_n3A_259 = arith.select %eq3A_254, %broadcast_in_dim3A_257, %broadcast_in_dim3A_258 : vector<16xi1>, vector<16xf32>
          %mul3A_260 = arith.constant 16 : i32
          %mul3A_261 = arith.muli %scan3A_246, %mul3A_260 : i32
          %swap3A_262 = arith.constant 3 : i32
          %swap3A_263 = arith.index_cast %swap3A_262 : i32 to index
          %swap3A_264 = arith.index_cast %mul3A_261 : i32 to index
          %swap3A_265 = tpu.vector_load %arg5[%swap3A_263, %swap3A_264] {strides = array<i32>} : memref<8x4096xf32, #tpu.memory_space<vmem>>, vector<1x16xf32>,
          %swap3A_266 = vector.shape_cast %swap3A_265 : vector<1x16xf32> to vector<16xf32>
          %swap3A_267 = vector.shape_cast %select_n3A_259 : vector<16xf32> to vector<1x16xf32>
          tpu.vector_store %arg5[%swap3A_263, %swap3A_264], %swap3A_267 {strides = array<i32>} : memref<8x4096xf32, #tpu.memory_space<vmem>>, vector<1x16xf32>,
          %scan3A_268 = arith.constant 7 : i32
          %scan3A_269 = arith.addi %scan3A_112, %scan3A_268 : i32
          %mul3A_270 = arith.constant 16 : i32
          %mul3A_271 = arith.muli %scan3A_269, %mul3A_270 : i32
          %add3A_272 = arith.addi %mul3A_31, %mul3A_271 : i32
          %get3A_273 = arith.index_cast %add3A_272 : i32 to index
          %get3A_274 = tpu.vector_load %arg4[%get3A_273] {strides = array<i32>} : memref<81920xi32, #tpu.memory_space<vmem>>, vector<16xi32>,
          %get3A_275 = vector.shape_cast %get3A_274 : vector<16xi32> to vector<16xi32>
          %eq3A_276 = vector.broadcast %sub3A_66 : i32 to vector<16xi32>
          %eq3A_277 = arith.cmpi eq, %get3A_275, %eq3A_276 : vector<16xi32>
          %jit3A_278 = arith.constant 1.000000e+00 : f32
          %jit3A_279 = arith.constant 0.000000e+00 : f32
          %broadcast_in_dim3A_280 = vector.broadcast %jit3A_278 : f32 to vector<16xf32>
          %broadcast_in_dim3A_281 = vector.broadcast %jit3A_279 : f32 to vector<16xf32>
          %select_n3A_282 = arith.select %eq3A_277, %broadcast_in_dim3A_280, %broadcast_in_dim3A_281 : vector<16xi1>, vector<16xf32>
          %mul3A_283 = arith.constant 16 : i32
          %mul3A_284 = arith.muli %scan3A_269, %mul3A_283 : i32
          %swap3A_285 = arith.constant 3 : i32
          %swap3A_286 = arith.index_cast %swap3A_285 : i32 to index
          %swap3A_287 = arith.index_cast %mul3A_284 : i32 to index
          %swap3A_288 = tpu.vector_load %arg5[%swap3A_286, %swap3A_287] {strides = array<i32>} : memref<8x4096xf32, #tpu.memory_space<vmem>>, vector<1x16xf32>,
          %swap3A_289 = vector.shape_cast %swap3A_288 : vector<1x16xf32> to vector<16xf32>
          %swap3A_290 = vector.shape_cast %select_n3A_282 : vector<16xf32> to vector<1x16xf32>
          tpu.vector_store %arg5[%swap3A_286, %swap3A_287], %swap3A_290 {strides = array<i32>} : memref<8x4096xf32, #tpu.memory_space<vmem>>, vector<1x16xf32>,
        }
        %scan3A_71 = arith.constant 256 : i32
        %add3A_72 = arith.constant 4 : i32
        %add3A_73 = arith.addi %mul3A_13, %add3A_72 : i32
        %mul3A_74 = arith.constant 1000 : i32
        %mul3A_75 = arith.muli %select_n3A, %mul3A_74 : i32
        %sub3A_76 = arith.subi %add3A_73, %mul3A_75 : i32
        %scan3A_77 = arith.constant 0 : i32
        %scan3A_78 = arith.constant 256 : i32
        %scan3A_79 = arith.addi %scan3A_77, %scan3A_78 : i32
        %scan3A_80 = arith.constant 8 : i32
        scf.for %scan3A_112 = %scan3A_77 to %scan3A_79 step %scan3A_80  : i32 {
          %mul3A_113 = arith.constant 16 : i32
          %mul3A_114 = arith.muli %scan3A_112, %mul3A_113 : i32
          %add3A_115 = arith.addi %mul3A_31, %mul3A_114 : i32
          %get3A = arith.index_cast %add3A_115 : i32 to index
          %get3A_116 = tpu.vector_load %arg4[%get3A] {strides = array<i32>} : memref<81920xi32, #tpu.memory_space<vmem>>, vector<16xi32>,
          %get3A_117 = vector.shape_cast %get3A_116 : vector<16xi32> to vector<16xi32>
          %eq3A = vector.broadcast %sub3A_76 : i32 to vector<16xi32>
          %eq3A_118 = arith.cmpi eq, %get3A_117, %eq3A : vector<16xi32>
          %jit3A_119 = arith.constant 1.000000e+00 : f32
          %jit3A_120 = arith.constant 0.000000e+00 : f32
          %broadcast_in_dim3A = vector.broadcast %jit3A_119 : f32 to vector<16xf32>
          %broadcast_in_dim3A_121 = vector.broadcast %jit3A_120 : f32 to vector<16xf32>
          %select_n3A_122 = arith.select %eq3A_118, %broadcast_in_dim3A, %broadcast_in_dim3A_121 : vector<16xi1>, vector<16xf32>
          %mul3A_123 = arith.constant 16 : i32
          %mul3A_124 = arith.muli %scan3A_112, %mul3A_123 : i32
          %swap3A = arith.constant 4 : i32
          %swap3A_125 = arith.index_cast %swap3A : i32 to index
          %swap3A_126 = arith.index_cast %mul3A_124 : i32 to index
          %swap3A_127 = tpu.vector_load %arg5[%swap3A_125, %swap3A_126] {strides = array<i32>} : memref<8x4096xf32, #tpu.memory_space<vmem>>, vector<1x16xf32>,
          %swap3A_128 = vector.shape_cast %swap3A_127 : vector<1x16xf32> to vector<16xf32>
          %swap3A_129 = vector.shape_cast %select_n3A_122 : vector<16xf32> to vector<1x16xf32>
          tpu.vector_store %arg5[%swap3A_125, %swap3A_126], %swap3A_129 {strides = array<i32>} : memref<8x4096xf32, #tpu.memory_space<vmem>>, vector<1x16xf32>,
          %scan3A_130 = arith.constant 1 : i32
          %scan3A_131 = arith.addi %scan3A_112, %scan3A_130 : i32
          %mul3A_132 = arith.constant 16 : i32
          %mul3A_133 = arith.muli %scan3A_131, %mul3A_132 : i32
          %add3A_134 = arith.addi %mul3A_31, %mul3A_133 : i32
          %get3A_135 = arith.index_cast %add3A_134 : i32 to index
          %get3A_136 = tpu.vector_load %arg4[%get3A_135] {strides = array<i32>} : memref<81920xi32, #tpu.memory_space<vmem>>, vector<16xi32>,
          %get3A_137 = vector.shape_cast %get3A_136 : vector<16xi32> to vector<16xi32>
          %eq3A_138 = vector.broadcast %sub3A_76 : i32 to vector<16xi32>
          %eq3A_139 = arith.cmpi eq, %get3A_137, %eq3A_138 : vector<16xi32>
          %jit3A_140 = arith.constant 1.000000e+00 : f32
          %jit3A_141 = arith.constant 0.000000e+00 : f32
          %broadcast_in_dim3A_142 = vector.broadcast %jit3A_140 : f32 to vector<16xf32>
          %broadcast_in_dim3A_143 = vector.broadcast %jit3A_141 : f32 to vector<16xf32>
          %select_n3A_144 = arith.select %eq3A_139, %broadcast_in_dim3A_142, %broadcast_in_dim3A_143 : vector<16xi1>, vector<16xf32>
          %mul3A_145 = arith.constant 16 : i32
          %mul3A_146 = arith.muli %scan3A_131, %mul3A_145 : i32
          %swap3A_147 = arith.constant 4 : i32
          %swap3A_148 = arith.index_cast %swap3A_147 : i32 to index
          %swap3A_149 = arith.index_cast %mul3A_146 : i32 to index
          %swap3A_150 = tpu.vector_load %arg5[%swap3A_148, %swap3A_149] {strides = array<i32>} : memref<8x4096xf32, #tpu.memory_space<vmem>>, vector<1x16xf32>,
          %swap3A_151 = vector.shape_cast %swap3A_150 : vector<1x16xf32> to vector<16xf32>
          %swap3A_152 = vector.shape_cast %select_n3A_144 : vector<16xf32> to vector<1x16xf32>
          tpu.vector_store %arg5[%swap3A_148, %swap3A_149], %swap3A_152 {strides = array<i32>} : memref<8x4096xf32, #tpu.memory_space<vmem>>, vector<1x16xf32>,
          %scan3A_153 = arith.constant 2 : i32
          %scan3A_154 = arith.addi %scan3A_112, %scan3A_153 : i32
          %mul3A_155 = arith.constant 16 : i32
          %mul3A_156 = arith.muli %scan3A_154, %mul3A_155 : i32
          %add3A_157 = arith.addi %mul3A_31, %mul3A_156 : i32
          %get3A_158 = arith.index_cast %add3A_157 : i32 to index
          %get3A_159 = tpu.vector_load %arg4[%get3A_158] {strides = array<i32>} : memref<81920xi32, #tpu.memory_space<vmem>>, vector<16xi32>,
          %get3A_160 = vector.shape_cast %get3A_159 : vector<16xi32> to vector<16xi32>
          %eq3A_161 = vector.broadcast %sub3A_76 : i32 to vector<16xi32>
          %eq3A_162 = arith.cmpi eq, %get3A_160, %eq3A_161 : vector<16xi32>
          %jit3A_163 = arith.constant 1.000000e+00 : f32
          %jit3A_164 = arith.constant 0.000000e+00 : f32
          %broadcast_in_dim3A_165 = vector.broadcast %jit3A_163 : f32 to vector<16xf32>
          %broadcast_in_dim3A_166 = vector.broadcast %jit3A_164 : f32 to vector<16xf32>
          %select_n3A_167 = arith.select %eq3A_162, %broadcast_in_dim3A_165, %broadcast_in_dim3A_166 : vector<16xi1>, vector<16xf32>
          %mul3A_168 = arith.constant 16 : i32
          %mul3A_169 = arith.muli %scan3A_154, %mul3A_168 : i32
          %swap3A_170 = arith.constant 4 : i32
          %swap3A_171 = arith.index_cast %swap3A_170 : i32 to index
          %swap3A_172 = arith.index_cast %mul3A_169 : i32 to index
          %swap3A_173 = tpu.vector_load %arg5[%swap3A_171, %swap3A_172] {strides = array<i32>} : memref<8x4096xf32, #tpu.memory_space<vmem>>, vector<1x16xf32>,
          %swap3A_174 = vector.shape_cast %swap3A_173 : vector<1x16xf32> to vector<16xf32>
          %swap3A_175 = vector.shape_cast %select_n3A_167 : vector<16xf32> to vector<1x16xf32>
          tpu.vector_store %arg5[%swap3A_171, %swap3A_172], %swap3A_175 {strides = array<i32>} : memref<8x4096xf32, #tpu.memory_space<vmem>>, vector<1x16xf32>,
          %scan3A_176 = arith.constant 3 : i32
          %scan3A_177 = arith.addi %scan3A_112, %scan3A_176 : i32
          %mul3A_178 = arith.constant 16 : i32
          %mul3A_179 = arith.muli %scan3A_177, %mul3A_178 : i32
          %add3A_180 = arith.addi %mul3A_31, %mul3A_179 : i32
          %get3A_181 = arith.index_cast %add3A_180 : i32 to index
          %get3A_182 = tpu.vector_load %arg4[%get3A_181] {strides = array<i32>} : memref<81920xi32, #tpu.memory_space<vmem>>, vector<16xi32>,
          %get3A_183 = vector.shape_cast %get3A_182 : vector<16xi32> to vector<16xi32>
          %eq3A_184 = vector.broadcast %sub3A_76 : i32 to vector<16xi32>
          %eq3A_185 = arith.cmpi eq, %get3A_183, %eq3A_184 : vector<16xi32>
          %jit3A_186 = arith.constant 1.000000e+00 : f32
          %jit3A_187 = arith.constant 0.000000e+00 : f32
          %broadcast_in_dim3A_188 = vector.broadcast %jit3A_186 : f32 to vector<16xf32>
          %broadcast_in_dim3A_189 = vector.broadcast %jit3A_187 : f32 to vector<16xf32>
          %select_n3A_190 = arith.select %eq3A_185, %broadcast_in_dim3A_188, %broadcast_in_dim3A_189 : vector<16xi1>, vector<16xf32>
          %mul3A_191 = arith.constant 16 : i32
          %mul3A_192 = arith.muli %scan3A_177, %mul3A_191 : i32
          %swap3A_193 = arith.constant 4 : i32
          %swap3A_194 = arith.index_cast %swap3A_193 : i32 to index
          %swap3A_195 = arith.index_cast %mul3A_192 : i32 to index
          %swap3A_196 = tpu.vector_load %arg5[%swap3A_194, %swap3A_195] {strides = array<i32>} : memref<8x4096xf32, #tpu.memory_space<vmem>>, vector<1x16xf32>,
          %swap3A_197 = vector.shape_cast %swap3A_196 : vector<1x16xf32> to vector<16xf32>
          %swap3A_198 = vector.shape_cast %select_n3A_190 : vector<16xf32> to vector<1x16xf32>
          tpu.vector_store %arg5[%swap3A_194, %swap3A_195], %swap3A_198 {strides = array<i32>} : memref<8x4096xf32, #tpu.memory_space<vmem>>, vector<1x16xf32>,
          %scan3A_199 = arith.constant 4 : i32
          %scan3A_200 = arith.addi %scan3A_112, %scan3A_199 : i32
          %mul3A_201 = arith.constant 16 : i32
          %mul3A_202 = arith.muli %scan3A_200, %mul3A_201 : i32
          %add3A_203 = arith.addi %mul3A_31, %mul3A_202 : i32
          %get3A_204 = arith.index_cast %add3A_203 : i32 to index
          %get3A_205 = tpu.vector_load %arg4[%get3A_204] {strides = array<i32>} : memref<81920xi32, #tpu.memory_space<vmem>>, vector<16xi32>,
          %get3A_206 = vector.shape_cast %get3A_205 : vector<16xi32> to vector<16xi32>
          %eq3A_207 = vector.broadcast %sub3A_76 : i32 to vector<16xi32>
          %eq3A_208 = arith.cmpi eq, %get3A_206, %eq3A_207 : vector<16xi32>
          %jit3A_209 = arith.constant 1.000000e+00 : f32
          %jit3A_210 = arith.constant 0.000000e+00 : f32
          %broadcast_in_dim3A_211 = vector.broadcast %jit3A_209 : f32 to vector<16xf32>
          %broadcast_in_dim3A_212 = vector.broadcast %jit3A_210 : f32 to vector<16xf32>
          %select_n3A_213 = arith.select %eq3A_208, %broadcast_in_dim3A_211, %broadcast_in_dim3A_212 : vector<16xi1>, vector<16xf32>
          %mul3A_214 = arith.constant 16 : i32
          %mul3A_215 = arith.muli %scan3A_200, %mul3A_214 : i32
          %swap3A_216 = arith.constant 4 : i32
          %swap3A_217 = arith.index_cast %swap3A_216 : i32 to index
          %swap3A_218 = arith.index_cast %mul3A_215 : i32 to index
          %swap3A_219 = tpu.vector_load %arg5[%swap3A_217, %swap3A_218] {strides = array<i32>} : memref<8x4096xf32, #tpu.memory_space<vmem>>, vector<1x16xf32>,
          %swap3A_220 = vector.shape_cast %swap3A_219 : vector<1x16xf32> to vector<16xf32>
          %swap3A_221 = vector.shape_cast %select_n3A_213 : vector<16xf32> to vector<1x16xf32>
          tpu.vector_store %arg5[%swap3A_217, %swap3A_218], %swap3A_221 {strides = array<i32>} : memref<8x4096xf32, #tpu.memory_space<vmem>>, vector<1x16xf32>,
          %scan3A_222 = arith.constant 5 : i32
          %scan3A_223 = arith.addi %scan3A_112, %scan3A_222 : i32
          %mul3A_224 = arith.constant 16 : i32
          %mul3A_225 = arith.muli %scan3A_223, %mul3A_224 : i32
          %add3A_226 = arith.addi %mul3A_31, %mul3A_225 : i32
          %get3A_227 = arith.index_cast %add3A_226 : i32 to index
          %get3A_228 = tpu.vector_load %arg4[%get3A_227] {strides = array<i32>} : memref<81920xi32, #tpu.memory_space<vmem>>, vector<16xi32>,
          %get3A_229 = vector.shape_cast %get3A_228 : vector<16xi32> to vector<16xi32>
          %eq3A_230 = vector.broadcast %sub3A_76 : i32 to vector<16xi32>
          %eq3A_231 = arith.cmpi eq, %get3A_229, %eq3A_230 : vector<16xi32>
          %jit3A_232 = arith.constant 1.000000e+00 : f32
          %jit3A_233 = arith.constant 0.000000e+00 : f32
          %broadcast_in_dim3A_234 = vector.broadcast %jit3A_232 : f32 to vector<16xf32>
          %broadcast_in_dim3A_235 = vector.broadcast %jit3A_233 : f32 to vector<16xf32>
          %select_n3A_236 = arith.select %eq3A_231, %broadcast_in_dim3A_234, %broadcast_in_dim3A_235 : vector<16xi1>, vector<16xf32>
          %mul3A_237 = arith.constant 16 : i32
          %mul3A_238 = arith.muli %scan3A_223, %mul3A_237 : i32
          %swap3A_239 = arith.constant 4 : i32
          %swap3A_240 = arith.index_cast %swap3A_239 : i32 to index
          %swap3A_241 = arith.index_cast %mul3A_238 : i32 to index
          %swap3A_242 = tpu.vector_load %arg5[%swap3A_240, %swap3A_241] {strides = array<i32>} : memref<8x4096xf32, #tpu.memory_space<vmem>>, vector<1x16xf32>,
          %swap3A_243 = vector.shape_cast %swap3A_242 : vector<1x16xf32> to vector<16xf32>
          %swap3A_244 = vector.shape_cast %select_n3A_236 : vector<16xf32> to vector<1x16xf32>
          tpu.vector_store %arg5[%swap3A_240, %swap3A_241], %swap3A_244 {strides = array<i32>} : memref<8x4096xf32, #tpu.memory_space<vmem>>, vector<1x16xf32>,
          %scan3A_245 = arith.constant 6 : i32
          %scan3A_246 = arith.addi %scan3A_112, %scan3A_245 : i32
          %mul3A_247 = arith.constant 16 : i32
          %mul3A_248 = arith.muli %scan3A_246, %mul3A_247 : i32
          %add3A_249 = arith.addi %mul3A_31, %mul3A_248 : i32
          %get3A_250 = arith.index_cast %add3A_249 : i32 to index
          %get3A_251 = tpu.vector_load %arg4[%get3A_250] {strides = array<i32>} : memref<81920xi32, #tpu.memory_space<vmem>>, vector<16xi32>,
          %get3A_252 = vector.shape_cast %get3A_251 : vector<16xi32> to vector<16xi32>
          %eq3A_253 = vector.broadcast %sub3A_76 : i32 to vector<16xi32>
          %eq3A_254 = arith.cmpi eq, %get3A_252, %eq3A_253 : vector<16xi32>
          %jit3A_255 = arith.constant 1.000000e+00 : f32
          %jit3A_256 = arith.constant 0.000000e+00 : f32
          %broadcast_in_dim3A_257 = vector.broadcast %jit3A_255 : f32 to vector<16xf32>
          %broadcast_in_dim3A_258 = vector.broadcast %jit3A_256 : f32 to vector<16xf32>
          %select_n3A_259 = arith.select %eq3A_254, %broadcast_in_dim3A_257, %broadcast_in_dim3A_258 : vector<16xi1>, vector<16xf32>
          %mul3A_260 = arith.constant 16 : i32
          %mul3A_261 = arith.muli %scan3A_246, %mul3A_260 : i32
          %swap3A_262 = arith.constant 4 : i32
          %swap3A_263 = arith.index_cast %swap3A_262 : i32 to index
          %swap3A_264 = arith.index_cast %mul3A_261 : i32 to index
          %swap3A_265 = tpu.vector_load %arg5[%swap3A_263, %swap3A_264] {strides = array<i32>} : memref<8x4096xf32, #tpu.memory_space<vmem>>, vector<1x16xf32>,
          %swap3A_266 = vector.shape_cast %swap3A_265 : vector<1x16xf32> to vector<16xf32>
          %swap3A_267 = vector.shape_cast %select_n3A_259 : vector<16xf32> to vector<1x16xf32>
          tpu.vector_store %arg5[%swap3A_263, %swap3A_264], %swap3A_267 {strides = array<i32>} : memref<8x4096xf32, #tpu.memory_space<vmem>>, vector<1x16xf32>,
          %scan3A_268 = arith.constant 7 : i32
          %scan3A_269 = arith.addi %scan3A_112, %scan3A_268 : i32
          %mul3A_270 = arith.constant 16 : i32
          %mul3A_271 = arith.muli %scan3A_269, %mul3A_270 : i32
          %add3A_272 = arith.addi %mul3A_31, %mul3A_271 : i32
          %get3A_273 = arith.index_cast %add3A_272 : i32 to index
          %get3A_274 = tpu.vector_load %arg4[%get3A_273] {strides = array<i32>} : memref<81920xi32, #tpu.memory_space<vmem>>, vector<16xi32>,
          %get3A_275 = vector.shape_cast %get3A_274 : vector<16xi32> to vector<16xi32>
          %eq3A_276 = vector.broadcast %sub3A_76 : i32 to vector<16xi32>
          %eq3A_277 = arith.cmpi eq, %get3A_275, %eq3A_276 : vector<16xi32>
          %jit3A_278 = arith.constant 1.000000e+00 : f32
          %jit3A_279 = arith.constant 0.000000e+00 : f32
          %broadcast_in_dim3A_280 = vector.broadcast %jit3A_278 : f32 to vector<16xf32>
          %broadcast_in_dim3A_281 = vector.broadcast %jit3A_279 : f32 to vector<16xf32>
          %select_n3A_282 = arith.select %eq3A_277, %broadcast_in_dim3A_280, %broadcast_in_dim3A_281 : vector<16xi1>, vector<16xf32>
          %mul3A_283 = arith.constant 16 : i32
          %mul3A_284 = arith.muli %scan3A_269, %mul3A_283 : i32
          %swap3A_285 = arith.constant 4 : i32
          %swap3A_286 = arith.index_cast %swap3A_285 : i32 to index
          %swap3A_287 = arith.index_cast %mul3A_284 : i32 to index
          %swap3A_288 = tpu.vector_load %arg5[%swap3A_286, %swap3A_287] {strides = array<i32>} : memref<8x4096xf32, #tpu.memory_space<vmem>>, vector<1x16xf32>,
          %swap3A_289 = vector.shape_cast %swap3A_288 : vector<1x16xf32> to vector<16xf32>
          %swap3A_290 = vector.shape_cast %select_n3A_282 : vector<16xf32> to vector<1x16xf32>
          tpu.vector_store %arg5[%swap3A_286, %swap3A_287], %swap3A_290 {strides = array<i32>} : memref<8x4096xf32, #tpu.memory_space<vmem>>, vector<1x16xf32>,
        }
        %scan3A_81 = arith.constant 256 : i32
        %add3A_82 = arith.constant 5 : i32
        %add3A_83 = arith.addi %mul3A_13, %add3A_82 : i32
        %mul3A_84 = arith.constant 1000 : i32
        %mul3A_85 = arith.muli %select_n3A, %mul3A_84 : i32
        %sub3A_86 = arith.subi %add3A_83, %mul3A_85 : i32
        %scan3A_87 = arith.constant 0 : i32
        %scan3A_88 = arith.constant 256 : i32
        %scan3A_89 = arith.addi %scan3A_87, %scan3A_88 : i32
        %scan3A_90 = arith.constant 8 : i32
        scf.for %scan3A_112 = %scan3A_87 to %scan3A_89 step %scan3A_90  : i32 {
          %mul3A_113 = arith.constant 16 : i32
          %mul3A_114 = arith.muli %scan3A_112, %mul3A_113 : i32
          %add3A_115 = arith.addi %mul3A_31, %mul3A_114 : i32
          %get3A = arith.index_cast %add3A_115 : i32 to index
          %get3A_116 = tpu.vector_load %arg4[%get3A] {strides = array<i32>} : memref<81920xi32, #tpu.memory_space<vmem>>, vector<16xi32>,
          %get3A_117 = vector.shape_cast %get3A_116 : vector<16xi32> to vector<16xi32>
          %eq3A = vector.broadcast %sub3A_86 : i32 to vector<16xi32>
          %eq3A_118 = arith.cmpi eq, %get3A_117, %eq3A : vector<16xi32>
          %jit3A_119 = arith.constant 1.000000e+00 : f32
          %jit3A_120 = arith.constant 0.000000e+00 : f32
          %broadcast_in_dim3A = vector.broadcast %jit3A_119 : f32 to vector<16xf32>
          %broadcast_in_dim3A_121 = vector.broadcast %jit3A_120 : f32 to vector<16xf32>
          %select_n3A_122 = arith.select %eq3A_118, %broadcast_in_dim3A, %broadcast_in_dim3A_121 : vector<16xi1>, vector<16xf32>
          %mul3A_123 = arith.constant 16 : i32
          %mul3A_124 = arith.muli %scan3A_112, %mul3A_123 : i32
          %swap3A = arith.constant 5 : i32
          %swap3A_125 = arith.index_cast %swap3A : i32 to index
          %swap3A_126 = arith.index_cast %mul3A_124 : i32 to index
          %swap3A_127 = tpu.vector_load %arg5[%swap3A_125, %swap3A_126] {strides = array<i32>} : memref<8x4096xf32, #tpu.memory_space<vmem>>, vector<1x16xf32>,
          %swap3A_128 = vector.shape_cast %swap3A_127 : vector<1x16xf32> to vector<16xf32>
          %swap3A_129 = vector.shape_cast %select_n3A_122 : vector<16xf32> to vector<1x16xf32>
          tpu.vector_store %arg5[%swap3A_125, %swap3A_126], %swap3A_129 {strides = array<i32>} : memref<8x4096xf32, #tpu.memory_space<vmem>>, vector<1x16xf32>,
          %scan3A_130 = arith.constant 1 : i32
          %scan3A_131 = arith.addi %scan3A_112, %scan3A_130 : i32
          %mul3A_132 = arith.constant 16 : i32
          %mul3A_133 = arith.muli %scan3A_131, %mul3A_132 : i32
          %add3A_134 = arith.addi %mul3A_31, %mul3A_133 : i32
          %get3A_135 = arith.index_cast %add3A_134 : i32 to index
          %get3A_136 = tpu.vector_load %arg4[%get3A_135] {strides = array<i32>} : memref<81920xi32, #tpu.memory_space<vmem>>, vector<16xi32>,
          %get3A_137 = vector.shape_cast %get3A_136 : vector<16xi32> to vector<16xi32>
          %eq3A_138 = vector.broadcast %sub3A_86 : i32 to vector<16xi32>
          %eq3A_139 = arith.cmpi eq, %get3A_137, %eq3A_138 : vector<16xi32>
          %jit3A_140 = arith.constant 1.000000e+00 : f32
          %jit3A_141 = arith.constant 0.000000e+00 : f32
          %broadcast_in_dim3A_142 = vector.broadcast %jit3A_140 : f32 to vector<16xf32>
          %broadcast_in_dim3A_143 = vector.broadcast %jit3A_141 : f32 to vector<16xf32>
          %select_n3A_144 = arith.select %eq3A_139, %broadcast_in_dim3A_142, %broadcast_in_dim3A_143 : vector<16xi1>, vector<16xf32>
          %mul3A_145 = arith.constant 16 : i32
          %mul3A_146 = arith.muli %scan3A_131, %mul3A_145 : i32
          %swap3A_147 = arith.constant 5 : i32
          %swap3A_148 = arith.index_cast %swap3A_147 : i32 to index
          %swap3A_149 = arith.index_cast %mul3A_146 : i32 to index
          %swap3A_150 = tpu.vector_load %arg5[%swap3A_148, %swap3A_149] {strides = array<i32>} : memref<8x4096xf32, #tpu.memory_space<vmem>>, vector<1x16xf32>,
          %swap3A_151 = vector.shape_cast %swap3A_150 : vector<1x16xf32> to vector<16xf32>
          %swap3A_152 = vector.shape_cast %select_n3A_144 : vector<16xf32> to vector<1x16xf32>
          tpu.vector_store %arg5[%swap3A_148, %swap3A_149], %swap3A_152 {strides = array<i32>} : memref<8x4096xf32, #tpu.memory_space<vmem>>, vector<1x16xf32>,
          %scan3A_153 = arith.constant 2 : i32
          %scan3A_154 = arith.addi %scan3A_112, %scan3A_153 : i32
          %mul3A_155 = arith.constant 16 : i32
          %mul3A_156 = arith.muli %scan3A_154, %mul3A_155 : i32
          %add3A_157 = arith.addi %mul3A_31, %mul3A_156 : i32
          %get3A_158 = arith.index_cast %add3A_157 : i32 to index
          %get3A_159 = tpu.vector_load %arg4[%get3A_158] {strides = array<i32>} : memref<81920xi32, #tpu.memory_space<vmem>>, vector<16xi32>,
          %get3A_160 = vector.shape_cast %get3A_159 : vector<16xi32> to vector<16xi32>
          %eq3A_161 = vector.broadcast %sub3A_86 : i32 to vector<16xi32>
          %eq3A_162 = arith.cmpi eq, %get3A_160, %eq3A_161 : vector<16xi32>
          %jit3A_163 = arith.constant 1.000000e+00 : f32
          %jit3A_164 = arith.constant 0.000000e+00 : f32
          %broadcast_in_dim3A_165 = vector.broadcast %jit3A_163 : f32 to vector<16xf32>
          %broadcast_in_dim3A_166 = vector.broadcast %jit3A_164 : f32 to vector<16xf32>
          %select_n3A_167 = arith.select %eq3A_162, %broadcast_in_dim3A_165, %broadcast_in_dim3A_166 : vector<16xi1>, vector<16xf32>
          %mul3A_168 = arith.constant 16 : i32
          %mul3A_169 = arith.muli %scan3A_154, %mul3A_168 : i32
          %swap3A_170 = arith.constant 5 : i32
          %swap3A_171 = arith.index_cast %swap3A_170 : i32 to index
          %swap3A_172 = arith.index_cast %mul3A_169 : i32 to index
          %swap3A_173 = tpu.vector_load %arg5[%swap3A_171, %swap3A_172] {strides = array<i32>} : memref<8x4096xf32, #tpu.memory_space<vmem>>, vector<1x16xf32>,
          %swap3A_174 = vector.shape_cast %swap3A_173 : vector<1x16xf32> to vector<16xf32>
          %swap3A_175 = vector.shape_cast %select_n3A_167 : vector<16xf32> to vector<1x16xf32>
          tpu.vector_store %arg5[%swap3A_171, %swap3A_172], %swap3A_175 {strides = array<i32>} : memref<8x4096xf32, #tpu.memory_space<vmem>>, vector<1x16xf32>,
          %scan3A_176 = arith.constant 3 : i32
          %scan3A_177 = arith.addi %scan3A_112, %scan3A_176 : i32
          %mul3A_178 = arith.constant 16 : i32
          %mul3A_179 = arith.muli %scan3A_177, %mul3A_178 : i32
          %add3A_180 = arith.addi %mul3A_31, %mul3A_179 : i32
          %get3A_181 = arith.index_cast %add3A_180 : i32 to index
          %get3A_182 = tpu.vector_load %arg4[%get3A_181] {strides = array<i32>} : memref<81920xi32, #tpu.memory_space<vmem>>, vector<16xi32>,
          %get3A_183 = vector.shape_cast %get3A_182 : vector<16xi32> to vector<16xi32>
          %eq3A_184 = vector.broadcast %sub3A_86 : i32 to vector<16xi32>
          %eq3A_185 = arith.cmpi eq, %get3A_183, %eq3A_184 : vector<16xi32>
          %jit3A_186 = arith.constant 1.000000e+00 : f32
          %jit3A_187 = arith.constant 0.000000e+00 : f32
          %broadcast_in_dim3A_188 = vector.broadcast %jit3A_186 : f32 to vector<16xf32>
          %broadcast_in_dim3A_189 = vector.broadcast %jit3A_187 : f32 to vector<16xf32>
          %select_n3A_190 = arith.select %eq3A_185, %broadcast_in_dim3A_188, %broadcast_in_dim3A_189 : vector<16xi1>, vector<16xf32>
          %mul3A_191 = arith.constant 16 : i32
          %mul3A_192 = arith.muli %scan3A_177, %mul3A_191 : i32
          %swap3A_193 = arith.constant 5 : i32
          %swap3A_194 = arith.index_cast %swap3A_193 : i32 to index
          %swap3A_195 = arith.index_cast %mul3A_192 : i32 to index
          %swap3A_196 = tpu.vector_load %arg5[%swap3A_194, %swap3A_195] {strides = array<i32>} : memref<8x4096xf32, #tpu.memory_space<vmem>>, vector<1x16xf32>,
          %swap3A_197 = vector.shape_cast %swap3A_196 : vector<1x16xf32> to vector<16xf32>
          %swap3A_198 = vector.shape_cast %select_n3A_190 : vector<16xf32> to vector<1x16xf32>
          tpu.vector_store %arg5[%swap3A_194, %swap3A_195], %swap3A_198 {strides = array<i32>} : memref<8x4096xf32, #tpu.memory_space<vmem>>, vector<1x16xf32>,
          %scan3A_199 = arith.constant 4 : i32
          %scan3A_200 = arith.addi %scan3A_112, %scan3A_199 : i32
          %mul3A_201 = arith.constant 16 : i32
          %mul3A_202 = arith.muli %scan3A_200, %mul3A_201 : i32
          %add3A_203 = arith.addi %mul3A_31, %mul3A_202 : i32
          %get3A_204 = arith.index_cast %add3A_203 : i32 to index
          %get3A_205 = tpu.vector_load %arg4[%get3A_204] {strides = array<i32>} : memref<81920xi32, #tpu.memory_space<vmem>>, vector<16xi32>,
          %get3A_206 = vector.shape_cast %get3A_205 : vector<16xi32> to vector<16xi32>
          %eq3A_207 = vector.broadcast %sub3A_86 : i32 to vector<16xi32>
          %eq3A_208 = arith.cmpi eq, %get3A_206, %eq3A_207 : vector<16xi32>
          %jit3A_209 = arith.constant 1.000000e+00 : f32
          %jit3A_210 = arith.constant 0.000000e+00 : f32
          %broadcast_in_dim3A_211 = vector.broadcast %jit3A_209 : f32 to vector<16xf32>
          %broadcast_in_dim3A_212 = vector.broadcast %jit3A_210 : f32 to vector<16xf32>
          %select_n3A_213 = arith.select %eq3A_208, %broadcast_in_dim3A_211, %broadcast_in_dim3A_212 : vector<16xi1>, vector<16xf32>
          %mul3A_214 = arith.constant 16 : i32
          %mul3A_215 = arith.muli %scan3A_200, %mul3A_214 : i32
          %swap3A_216 = arith.constant 5 : i32
          %swap3A_217 = arith.index_cast %swap3A_216 : i32 to index
          %swap3A_218 = arith.index_cast %mul3A_215 : i32 to index
          %swap3A_219 = tpu.vector_load %arg5[%swap3A_217, %swap3A_218] {strides = array<i32>} : memref<8x4096xf32, #tpu.memory_space<vmem>>, vector<1x16xf32>,
          %swap3A_220 = vector.shape_cast %swap3A_219 : vector<1x16xf32> to vector<16xf32>
          %swap3A_221 = vector.shape_cast %select_n3A_213 : vector<16xf32> to vector<1x16xf32>
          tpu.vector_store %arg5[%swap3A_217, %swap3A_218], %swap3A_221 {strides = array<i32>} : memref<8x4096xf32, #tpu.memory_space<vmem>>, vector<1x16xf32>,
          %scan3A_222 = arith.constant 5 : i32
          %scan3A_223 = arith.addi %scan3A_112, %scan3A_222 : i32
          %mul3A_224 = arith.constant 16 : i32
          %mul3A_225 = arith.muli %scan3A_223, %mul3A_224 : i32
          %add3A_226 = arith.addi %mul3A_31, %mul3A_225 : i32
          %get3A_227 = arith.index_cast %add3A_226 : i32 to index
          %get3A_228 = tpu.vector_load %arg4[%get3A_227] {strides = array<i32>} : memref<81920xi32, #tpu.memory_space<vmem>>, vector<16xi32>,
          %get3A_229 = vector.shape_cast %get3A_228 : vector<16xi32> to vector<16xi32>
          %eq3A_230 = vector.broadcast %sub3A_86 : i32 to vector<16xi32>
          %eq3A_231 = arith.cmpi eq, %get3A_229, %eq3A_230 : vector<16xi32>
          %jit3A_232 = arith.constant 1.000000e+00 : f32
          %jit3A_233 = arith.constant 0.000000e+00 : f32
          %broadcast_in_dim3A_234 = vector.broadcast %jit3A_232 : f32 to vector<16xf32>
          %broadcast_in_dim3A_235 = vector.broadcast %jit3A_233 : f32 to vector<16xf32>
          %select_n3A_236 = arith.select %eq3A_231, %broadcast_in_dim3A_234, %broadcast_in_dim3A_235 : vector<16xi1>, vector<16xf32>
          %mul3A_237 = arith.constant 16 : i32
          %mul3A_238 = arith.muli %scan3A_223, %mul3A_237 : i32
          %swap3A_239 = arith.constant 5 : i32
          %swap3A_240 = arith.index_cast %swap3A_239 : i32 to index
          %swap3A_241 = arith.index_cast %mul3A_238 : i32 to index
          %swap3A_242 = tpu.vector_load %arg5[%swap3A_240, %swap3A_241] {strides = array<i32>} : memref<8x4096xf32, #tpu.memory_space<vmem>>, vector<1x16xf32>,
          %swap3A_243 = vector.shape_cast %swap3A_242 : vector<1x16xf32> to vector<16xf32>
          %swap3A_244 = vector.shape_cast %select_n3A_236 : vector<16xf32> to vector<1x16xf32>
          tpu.vector_store %arg5[%swap3A_240, %swap3A_241], %swap3A_244 {strides = array<i32>} : memref<8x4096xf32, #tpu.memory_space<vmem>>, vector<1x16xf32>,
          %scan3A_245 = arith.constant 6 : i32
          %scan3A_246 = arith.addi %scan3A_112, %scan3A_245 : i32
          %mul3A_247 = arith.constant 16 : i32
          %mul3A_248 = arith.muli %scan3A_246, %mul3A_247 : i32
          %add3A_249 = arith.addi %mul3A_31, %mul3A_248 : i32
          %get3A_250 = arith.index_cast %add3A_249 : i32 to index
          %get3A_251 = tpu.vector_load %arg4[%get3A_250] {strides = array<i32>} : memref<81920xi32, #tpu.memory_space<vmem>>, vector<16xi32>,
          %get3A_252 = vector.shape_cast %get3A_251 : vector<16xi32> to vector<16xi32>
          %eq3A_253 = vector.broadcast %sub3A_86 : i32 to vector<16xi32>
          %eq3A_254 = arith.cmpi eq, %get3A_252, %eq3A_253 : vector<16xi32>
          %jit3A_255 = arith.constant 1.000000e+00 : f32
          %jit3A_256 = arith.constant 0.000000e+00 : f32
          %broadcast_in_dim3A_257 = vector.broadcast %jit3A_255 : f32 to vector<16xf32>
          %broadcast_in_dim3A_258 = vector.broadcast %jit3A_256 : f32 to vector<16xf32>
          %select_n3A_259 = arith.select %eq3A_254, %broadcast_in_dim3A_257, %broadcast_in_dim3A_258 : vector<16xi1>, vector<16xf32>
          %mul3A_260 = arith.constant 16 : i32
          %mul3A_261 = arith.muli %scan3A_246, %mul3A_260 : i32
          %swap3A_262 = arith.constant 5 : i32
          %swap3A_263 = arith.index_cast %swap3A_262 : i32 to index
          %swap3A_264 = arith.index_cast %mul3A_261 : i32 to index
          %swap3A_265 = tpu.vector_load %arg5[%swap3A_263, %swap3A_264] {strides = array<i32>} : memref<8x4096xf32, #tpu.memory_space<vmem>>, vector<1x16xf32>,
          %swap3A_266 = vector.shape_cast %swap3A_265 : vector<1x16xf32> to vector<16xf32>
          %swap3A_267 = vector.shape_cast %select_n3A_259 : vector<16xf32> to vector<1x16xf32>
          tpu.vector_store %arg5[%swap3A_263, %swap3A_264], %swap3A_267 {strides = array<i32>} : memref<8x4096xf32, #tpu.memory_space<vmem>>, vector<1x16xf32>,
          %scan3A_268 = arith.constant 7 : i32
          %scan3A_269 = arith.addi %scan3A_112, %scan3A_268 : i32
          %mul3A_270 = arith.constant 16 : i32
          %mul3A_271 = arith.muli %scan3A_269, %mul3A_270 : i32
          %add3A_272 = arith.addi %mul3A_31, %mul3A_271 : i32
          %get3A_273 = arith.index_cast %add3A_272 : i32 to index
          %get3A_274 = tpu.vector_load %arg4[%get3A_273] {strides = array<i32>} : memref<81920xi32, #tpu.memory_space<vmem>>, vector<16xi32>,
          %get3A_275 = vector.shape_cast %get3A_274 : vector<16xi32> to vector<16xi32>
          %eq3A_276 = vector.broadcast %sub3A_86 : i32 to vector<16xi32>
          %eq3A_277 = arith.cmpi eq, %get3A_275, %eq3A_276 : vector<16xi32>
          %jit3A_278 = arith.constant 1.000000e+00 : f32
          %jit3A_279 = arith.constant 0.000000e+00 : f32
          %broadcast_in_dim3A_280 = vector.broadcast %jit3A_278 : f32 to vector<16xf32>
          %broadcast_in_dim3A_281 = vector.broadcast %jit3A_279 : f32 to vector<16xf32>
          %select_n3A_282 = arith.select %eq3A_277, %broadcast_in_dim3A_280, %broadcast_in_dim3A_281 : vector<16xi1>, vector<16xf32>
          %mul3A_283 = arith.constant 16 : i32
          %mul3A_284 = arith.muli %scan3A_269, %mul3A_283 : i32
          %swap3A_285 = arith.constant 5 : i32
          %swap3A_286 = arith.index_cast %swap3A_285 : i32 to index
          %swap3A_287 = arith.index_cast %mul3A_284 : i32 to index
          %swap3A_288 = tpu.vector_load %arg5[%swap3A_286, %swap3A_287] {strides = array<i32>} : memref<8x4096xf32, #tpu.memory_space<vmem>>, vector<1x16xf32>,
          %swap3A_289 = vector.shape_cast %swap3A_288 : vector<1x16xf32> to vector<16xf32>
          %swap3A_290 = vector.shape_cast %select_n3A_282 : vector<16xf32> to vector<1x16xf32>
          tpu.vector_store %arg5[%swap3A_286, %swap3A_287], %swap3A_290 {strides = array<i32>} : memref<8x4096xf32, #tpu.memory_space<vmem>>, vector<1x16xf32>,
        }
        %scan3A_91 = arith.constant 256 : i32
        %add3A_92 = arith.constant 6 : i32
        %add3A_93 = arith.addi %mul3A_13, %add3A_92 : i32
        %mul3A_94 = arith.constant 1000 : i32
        %mul3A_95 = arith.muli %select_n3A, %mul3A_94 : i32
        %sub3A_96 = arith.subi %add3A_93, %mul3A_95 : i32
        %scan3A_97 = arith.constant 0 : i32
        %scan3A_98 = arith.constant 256 : i32
        %scan3A_99 = arith.addi %scan3A_97, %scan3A_98 : i32
        %scan3A_100 = arith.constant 8 : i32
        scf.for %scan3A_112 = %scan3A_97 to %scan3A_99 step %scan3A_100  : i32 {
          %mul3A_113 = arith.constant 16 : i32
          %mul3A_114 = arith.muli %scan3A_112, %mul3A_113 : i32
          %add3A_115 = arith.addi %mul3A_31, %mul3A_114 : i32
          %get3A = arith.index_cast %add3A_115 : i32 to index
          %get3A_116 = tpu.vector_load %arg4[%get3A] {strides = array<i32>} : memref<81920xi32, #tpu.memory_space<vmem>>, vector<16xi32>,
          %get3A_117 = vector.shape_cast %get3A_116 : vector<16xi32> to vector<16xi32>
          %eq3A = vector.broadcast %sub3A_96 : i32 to vector<16xi32>
          %eq3A_118 = arith.cmpi eq, %get3A_117, %eq3A : vector<16xi32>
          %jit3A_119 = arith.constant 1.000000e+00 : f32
          %jit3A_120 = arith.constant 0.000000e+00 : f32
          %broadcast_in_dim3A = vector.broadcast %jit3A_119 : f32 to vector<16xf32>
          %broadcast_in_dim3A_121 = vector.broadcast %jit3A_120 : f32 to vector<16xf32>
          %select_n3A_122 = arith.select %eq3A_118, %broadcast_in_dim3A, %broadcast_in_dim3A_121 : vector<16xi1>, vector<16xf32>
          %mul3A_123 = arith.constant 16 : i32
          %mul3A_124 = arith.muli %scan3A_112, %mul3A_123 : i32
          %swap3A = arith.constant 6 : i32
          %swap3A_125 = arith.index_cast %swap3A : i32 to index
          %swap3A_126 = arith.index_cast %mul3A_124 : i32 to index
          %swap3A_127 = tpu.vector_load %arg5[%swap3A_125, %swap3A_126] {strides = array<i32>} : memref<8x4096xf32, #tpu.memory_space<vmem>>, vector<1x16xf32>,
          %swap3A_128 = vector.shape_cast %swap3A_127 : vector<1x16xf32> to vector<16xf32>
          %swap3A_129 = vector.shape_cast %select_n3A_122 : vector<16xf32> to vector<1x16xf32>
          tpu.vector_store %arg5[%swap3A_125, %swap3A_126], %swap3A_129 {strides = array<i32>} : memref<8x4096xf32, #tpu.memory_space<vmem>>, vector<1x16xf32>,
          %scan3A_130 = arith.constant 1 : i32
          %scan3A_131 = arith.addi %scan3A_112, %scan3A_130 : i32
          %mul3A_132 = arith.constant 16 : i32
          %mul3A_133 = arith.muli %scan3A_131, %mul3A_132 : i32
          %add3A_134 = arith.addi %mul3A_31, %mul3A_133 : i32
          %get3A_135 = arith.index_cast %add3A_134 : i32 to index
          %get3A_136 = tpu.vector_load %arg4[%get3A_135] {strides = array<i32>} : memref<81920xi32, #tpu.memory_space<vmem>>, vector<16xi32>,
          %get3A_137 = vector.shape_cast %get3A_136 : vector<16xi32> to vector<16xi32>
          %eq3A_138 = vector.broadcast %sub3A_96 : i32 to vector<16xi32>
          %eq3A_139 = arith.cmpi eq, %get3A_137, %eq3A_138 : vector<16xi32>
          %jit3A_140 = arith.constant 1.000000e+00 : f32
          %jit3A_141 = arith.constant 0.000000e+00 : f32
          %broadcast_in_dim3A_142 = vector.broadcast %jit3A_140 : f32 to vector<16xf32>
          %broadcast_in_dim3A_143 = vector.broadcast %jit3A_141 : f32 to vector<16xf32>
          %select_n3A_144 = arith.select %eq3A_139, %broadcast_in_dim3A_142, %broadcast_in_dim3A_143 : vector<16xi1>, vector<16xf32>
          %mul3A_145 = arith.constant 16 : i32
          %mul3A_146 = arith.muli %scan3A_131, %mul3A_145 : i32
          %swap3A_147 = arith.constant 6 : i32
          %swap3A_148 = arith.index_cast %swap3A_147 : i32 to index
          %swap3A_149 = arith.index_cast %mul3A_146 : i32 to index
          %swap3A_150 = tpu.vector_load %arg5[%swap3A_148, %swap3A_149] {strides = array<i32>} : memref<8x4096xf32, #tpu.memory_space<vmem>>, vector<1x16xf32>,
          %swap3A_151 = vector.shape_cast %swap3A_150 : vector<1x16xf32> to vector<16xf32>
          %swap3A_152 = vector.shape_cast %select_n3A_144 : vector<16xf32> to vector<1x16xf32>
          tpu.vector_store %arg5[%swap3A_148, %swap3A_149], %swap3A_152 {strides = array<i32>} : memref<8x4096xf32, #tpu.memory_space<vmem>>, vector<1x16xf32>,
          %scan3A_153 = arith.constant 2 : i32
          %scan3A_154 = arith.addi %scan3A_112, %scan3A_153 : i32
          %mul3A_155 = arith.constant 16 : i32
          %mul3A_156 = arith.muli %scan3A_154, %mul3A_155 : i32
          %add3A_157 = arith.addi %mul3A_31, %mul3A_156 : i32
          %get3A_158 = arith.index_cast %add3A_157 : i32 to index
          %get3A_159 = tpu.vector_load %arg4[%get3A_158] {strides = array<i32>} : memref<81920xi32, #tpu.memory_space<vmem>>, vector<16xi32>,
          %get3A_160 = vector.shape_cast %get3A_159 : vector<16xi32> to vector<16xi32>
          %eq3A_161 = vector.broadcast %sub3A_96 : i32 to vector<16xi32>
          %eq3A_162 = arith.cmpi eq, %get3A_160, %eq3A_161 : vector<16xi32>
          %jit3A_163 = arith.constant 1.000000e+00 : f32
          %jit3A_164 = arith.constant 0.000000e+00 : f32
          %broadcast_in_dim3A_165 = vector.broadcast %jit3A_163 : f32 to vector<16xf32>
          %broadcast_in_dim3A_166 = vector.broadcast %jit3A_164 : f32 to vector<16xf32>
          %select_n3A_167 = arith.select %eq3A_162, %broadcast_in_dim3A_165, %broadcast_in_dim3A_166 : vector<16xi1>, vector<16xf32>
          %mul3A_168 = arith.constant 16 : i32
          %mul3A_169 = arith.muli %scan3A_154, %mul3A_168 : i32
          %swap3A_170 = arith.constant 6 : i32
          %swap3A_171 = arith.index_cast %swap3A_170 : i32 to index
          %swap3A_172 = arith.index_cast %mul3A_169 : i32 to index
          %swap3A_173 = tpu.vector_load %arg5[%swap3A_171, %swap3A_172] {strides = array<i32>} : memref<8x4096xf32, #tpu.memory_space<vmem>>, vector<1x16xf32>,
          %swap3A_174 = vector.shape_cast %swap3A_173 : vector<1x16xf32> to vector<16xf32>
          %swap3A_175 = vector.shape_cast %select_n3A_167 : vector<16xf32> to vector<1x16xf32>
          tpu.vector_store %arg5[%swap3A_171, %swap3A_172], %swap3A_175 {strides = array<i32>} : memref<8x4096xf32, #tpu.memory_space<vmem>>, vector<1x16xf32>,
          %scan3A_176 = arith.constant 3 : i32
          %scan3A_177 = arith.addi %scan3A_112, %scan3A_176 : i32
          %mul3A_178 = arith.constant 16 : i32
          %mul3A_179 = arith.muli %scan3A_177, %mul3A_178 : i32
          %add3A_180 = arith.addi %mul3A_31, %mul3A_179 : i32
          %get3A_181 = arith.index_cast %add3A_180 : i32 to index
          %get3A_182 = tpu.vector_load %arg4[%get3A_181] {strides = array<i32>} : memref<81920xi32, #tpu.memory_space<vmem>>, vector<16xi32>,
          %get3A_183 = vector.shape_cast %get3A_182 : vector<16xi32> to vector<16xi32>
          %eq3A_184 = vector.broadcast %sub3A_96 : i32 to vector<16xi32>
          %eq3A_185 = arith.cmpi eq, %get3A_183, %eq3A_184 : vector<16xi32>
          %jit3A_186 = arith.constant 1.000000e+00 : f32
          %jit3A_187 = arith.constant 0.000000e+00 : f32
          %broadcast_in_dim3A_188 = vector.broadcast %jit3A_186 : f32 to vector<16xf32>
          %broadcast_in_dim3A_189 = vector.broadcast %jit3A_187 : f32 to vector<16xf32>
          %select_n3A_190 = arith.select %eq3A_185, %broadcast_in_dim3A_188, %broadcast_in_dim3A_189 : vector<16xi1>, vector<16xf32>
          %mul3A_191 = arith.constant 16 : i32
          %mul3A_192 = arith.muli %scan3A_177, %mul3A_191 : i32
          %swap3A_193 = arith.constant 6 : i32
          %swap3A_194 = arith.index_cast %swap3A_193 : i32 to index
          %swap3A_195 = arith.index_cast %mul3A_192 : i32 to index
          %swap3A_196 = tpu.vector_load %arg5[%swap3A_194, %swap3A_195] {strides = array<i32>} : memref<8x4096xf32, #tpu.memory_space<vmem>>, vector<1x16xf32>,
          %swap3A_197 = vector.shape_cast %swap3A_196 : vector<1x16xf32> to vector<16xf32>
          %swap3A_198 = vector.shape_cast %select_n3A_190 : vector<16xf32> to vector<1x16xf32>
          tpu.vector_store %arg5[%swap3A_194, %swap3A_195], %swap3A_198 {strides = array<i32>} : memref<8x4096xf32, #tpu.memory_space<vmem>>, vector<1x16xf32>,
          %scan3A_199 = arith.constant 4 : i32
          %scan3A_200 = arith.addi %scan3A_112, %scan3A_199 : i32
          %mul3A_201 = arith.constant 16 : i32
          %mul3A_202 = arith.muli %scan3A_200, %mul3A_201 : i32
          %add3A_203 = arith.addi %mul3A_31, %mul3A_202 : i32
          %get3A_204 = arith.index_cast %add3A_203 : i32 to index
          %get3A_205 = tpu.vector_load %arg4[%get3A_204] {strides = array<i32>} : memref<81920xi32, #tpu.memory_space<vmem>>, vector<16xi32>,
          %get3A_206 = vector.shape_cast %get3A_205 : vector<16xi32> to vector<16xi32>
          %eq3A_207 = vector.broadcast %sub3A_96 : i32 to vector<16xi32>
          %eq3A_208 = arith.cmpi eq, %get3A_206, %eq3A_207 : vector<16xi32>
          %jit3A_209 = arith.constant 1.000000e+00 : f32
          %jit3A_210 = arith.constant 0.000000e+00 : f32
          %broadcast_in_dim3A_211 = vector.broadcast %jit3A_209 : f32 to vector<16xf32>
          %broadcast_in_dim3A_212 = vector.broadcast %jit3A_210 : f32 to vector<16xf32>
          %select_n3A_213 = arith.select %eq3A_208, %broadcast_in_dim3A_211, %broadcast_in_dim3A_212 : vector<16xi1>, vector<16xf32>
          %mul3A_214 = arith.constant 16 : i32
          %mul3A_215 = arith.muli %scan3A_200, %mul3A_214 : i32
          %swap3A_216 = arith.constant 6 : i32
          %swap3A_217 = arith.index_cast %swap3A_216 : i32 to index
          %swap3A_218 = arith.index_cast %mul3A_215 : i32 to index
          %swap3A_219 = tpu.vector_load %arg5[%swap3A_217, %swap3A_218] {strides = array<i32>} : memref<8x4096xf32, #tpu.memory_space<vmem>>, vector<1x16xf32>,
          %swap3A_220 = vector.shape_cast %swap3A_219 : vector<1x16xf32> to vector<16xf32>
          %swap3A_221 = vector.shape_cast %select_n3A_213 : vector<16xf32> to vector<1x16xf32>
          tpu.vector_store %arg5[%swap3A_217, %swap3A_218], %swap3A_221 {strides = array<i32>} : memref<8x4096xf32, #tpu.memory_space<vmem>>, vector<1x16xf32>,
          %scan3A_222 = arith.constant 5 : i32
          %scan3A_223 = arith.addi %scan3A_112, %scan3A_222 : i32
          %mul3A_224 = arith.constant 16 : i32
          %mul3A_225 = arith.muli %scan3A_223, %mul3A_224 : i32
          %add3A_226 = arith.addi %mul3A_31, %mul3A_225 : i32
          %get3A_227 = arith.index_cast %add3A_226 : i32 to index
          %get3A_228 = tpu.vector_load %arg4[%get3A_227] {strides = array<i32>} : memref<81920xi32, #tpu.memory_space<vmem>>, vector<16xi32>,
          %get3A_229 = vector.shape_cast %get3A_228 : vector<16xi32> to vector<16xi32>
          %eq3A_230 = vector.broadcast %sub3A_96 : i32 to vector<16xi32>
          %eq3A_231 = arith.cmpi eq, %get3A_229, %eq3A_230 : vector<16xi32>
          %jit3A_232 = arith.constant 1.000000e+00 : f32
          %jit3A_233 = arith.constant 0.000000e+00 : f32
          %broadcast_in_dim3A_234 = vector.broadcast %jit3A_232 : f32 to vector<16xf32>
          %broadcast_in_dim3A_235 = vector.broadcast %jit3A_233 : f32 to vector<16xf32>
          %select_n3A_236 = arith.select %eq3A_231, %broadcast_in_dim3A_234, %broadcast_in_dim3A_235 : vector<16xi1>, vector<16xf32>
          %mul3A_237 = arith.constant 16 : i32
          %mul3A_238 = arith.muli %scan3A_223, %mul3A_237 : i32
          %swap3A_239 = arith.constant 6 : i32
          %swap3A_240 = arith.index_cast %swap3A_239 : i32 to index
          %swap3A_241 = arith.index_cast %mul3A_238 : i32 to index
          %swap3A_242 = tpu.vector_load %arg5[%swap3A_240, %swap3A_241] {strides = array<i32>} : memref<8x4096xf32, #tpu.memory_space<vmem>>, vector<1x16xf32>,
          %swap3A_243 = vector.shape_cast %swap3A_242 : vector<1x16xf32> to vector<16xf32>
          %swap3A_244 = vector.shape_cast %select_n3A_236 : vector<16xf32> to vector<1x16xf32>
          tpu.vector_store %arg5[%swap3A_240, %swap3A_241], %swap3A_244 {strides = array<i32>} : memref<8x4096xf32, #tpu.memory_space<vmem>>, vector<1x16xf32>,
          %scan3A_245 = arith.constant 6 : i32
          %scan3A_246 = arith.addi %scan3A_112, %scan3A_245 : i32
          %mul3A_247 = arith.constant 16 : i32
          %mul3A_248 = arith.muli %scan3A_246, %mul3A_247 : i32
          %add3A_249 = arith.addi %mul3A_31, %mul3A_248 : i32
          %get3A_250 = arith.index_cast %add3A_249 : i32 to index
          %get3A_251 = tpu.vector_load %arg4[%get3A_250] {strides = array<i32>} : memref<81920xi32, #tpu.memory_space<vmem>>, vector<16xi32>,
          %get3A_252 = vector.shape_cast %get3A_251 : vector<16xi32> to vector<16xi32>
          %eq3A_253 = vector.broadcast %sub3A_96 : i32 to vector<16xi32>
          %eq3A_254 = arith.cmpi eq, %get3A_252, %eq3A_253 : vector<16xi32>
          %jit3A_255 = arith.constant 1.000000e+00 : f32
          %jit3A_256 = arith.constant 0.000000e+00 : f32
          %broadcast_in_dim3A_257 = vector.broadcast %jit3A_255 : f32 to vector<16xf32>
          %broadcast_in_dim3A_258 = vector.broadcast %jit3A_256 : f32 to vector<16xf32>
          %select_n3A_259 = arith.select %eq3A_254, %broadcast_in_dim3A_257, %broadcast_in_dim3A_258 : vector<16xi1>, vector<16xf32>
          %mul3A_260 = arith.constant 16 : i32
          %mul3A_261 = arith.muli %scan3A_246, %mul3A_260 : i32
          %swap3A_262 = arith.constant 6 : i32
          %swap3A_263 = arith.index_cast %swap3A_262 : i32 to index
          %swap3A_264 = arith.index_cast %mul3A_261 : i32 to index
          %swap3A_265 = tpu.vector_load %arg5[%swap3A_263, %swap3A_264] {strides = array<i32>} : memref<8x4096xf32, #tpu.memory_space<vmem>>, vector<1x16xf32>,
          %swap3A_266 = vector.shape_cast %swap3A_265 : vector<1x16xf32> to vector<16xf32>
          %swap3A_267 = vector.shape_cast %select_n3A_259 : vector<16xf32> to vector<1x16xf32>
          tpu.vector_store %arg5[%swap3A_263, %swap3A_264], %swap3A_267 {strides = array<i32>} : memref<8x4096xf32, #tpu.memory_space<vmem>>, vector<1x16xf32>,
          %scan3A_268 = arith.constant 7 : i32
          %scan3A_269 = arith.addi %scan3A_112, %scan3A_268 : i32
          %mul3A_270 = arith.constant 16 : i32
          %mul3A_271 = arith.muli %scan3A_269, %mul3A_270 : i32
          %add3A_272 = arith.addi %mul3A_31, %mul3A_271 : i32
          %get3A_273 = arith.index_cast %add3A_272 : i32 to index
          %get3A_274 = tpu.vector_load %arg4[%get3A_273] {strides = array<i32>} : memref<81920xi32, #tpu.memory_space<vmem>>, vector<16xi32>,
          %get3A_275 = vector.shape_cast %get3A_274 : vector<16xi32> to vector<16xi32>
          %eq3A_276 = vector.broadcast %sub3A_96 : i32 to vector<16xi32>
          %eq3A_277 = arith.cmpi eq, %get3A_275, %eq3A_276 : vector<16xi32>
          %jit3A_278 = arith.constant 1.000000e+00 : f32
          %jit3A_279 = arith.constant 0.000000e+00 : f32
          %broadcast_in_dim3A_280 = vector.broadcast %jit3A_278 : f32 to vector<16xf32>
          %broadcast_in_dim3A_281 = vector.broadcast %jit3A_279 : f32 to vector<16xf32>
          %select_n3A_282 = arith.select %eq3A_277, %broadcast_in_dim3A_280, %broadcast_in_dim3A_281 : vector<16xi1>, vector<16xf32>
          %mul3A_283 = arith.constant 16 : i32
          %mul3A_284 = arith.muli %scan3A_269, %mul3A_283 : i32
          %swap3A_285 = arith.constant 6 : i32
          %swap3A_286 = arith.index_cast %swap3A_285 : i32 to index
          %swap3A_287 = arith.index_cast %mul3A_284 : i32 to index
          %swap3A_288 = tpu.vector_load %arg5[%swap3A_286, %swap3A_287] {strides = array<i32>} : memref<8x4096xf32, #tpu.memory_space<vmem>>, vector<1x16xf32>,
          %swap3A_289 = vector.shape_cast %swap3A_288 : vector<1x16xf32> to vector<16xf32>
          %swap3A_290 = vector.shape_cast %select_n3A_282 : vector<16xf32> to vector<1x16xf32>
          tpu.vector_store %arg5[%swap3A_286, %swap3A_287], %swap3A_290 {strides = array<i32>} : memref<8x4096xf32, #tpu.memory_space<vmem>>, vector<1x16xf32>,
        }
        %scan3A_101 = arith.constant 256 : i32
        %add3A_102 = arith.constant 7 : i32
        %add3A_103 = arith.addi %mul3A_13, %add3A_102 : i32
        %mul3A_104 = arith.constant 1000 : i32
        %mul3A_105 = arith.muli %select_n3A, %mul3A_104 : i32
        %sub3A_106 = arith.subi %add3A_103, %mul3A_105 : i32
        %scan3A_107 = arith.constant 0 : i32
        %scan3A_108 = arith.constant 256 : i32
        %scan3A_109 = arith.addi %scan3A_107, %scan3A_108 : i32
        %scan3A_110 = arith.constant 8 : i32
        scf.for %scan3A_112 = %scan3A_107 to %scan3A_109 step %scan3A_110  : i32 {
          %mul3A_113 = arith.constant 16 : i32
          %mul3A_114 = arith.muli %scan3A_112, %mul3A_113 : i32
          %add3A_115 = arith.addi %mul3A_31, %mul3A_114 : i32
          %get3A = arith.index_cast %add3A_115 : i32 to index
          %get3A_116 = tpu.vector_load %arg4[%get3A] {strides = array<i32>} : memref<81920xi32, #tpu.memory_space<vmem>>, vector<16xi32>,
          %get3A_117 = vector.shape_cast %get3A_116 : vector<16xi32> to vector<16xi32>
          %eq3A = vector.broadcast %sub3A_106 : i32 to vector<16xi32>
          %eq3A_118 = arith.cmpi eq, %get3A_117, %eq3A : vector<16xi32>
          %jit3A_119 = arith.constant 1.000000e+00 : f32
          %jit3A_120 = arith.constant 0.000000e+00 : f32
          %broadcast_in_dim3A = vector.broadcast %jit3A_119 : f32 to vector<16xf32>
          %broadcast_in_dim3A_121 = vector.broadcast %jit3A_120 : f32 to vector<16xf32>
          %select_n3A_122 = arith.select %eq3A_118, %broadcast_in_dim3A, %broadcast_in_dim3A_121 : vector<16xi1>, vector<16xf32>
          %mul3A_123 = arith.constant 16 : i32
          %mul3A_124 = arith.muli %scan3A_112, %mul3A_123 : i32
          %swap3A = arith.constant 7 : i32
          %swap3A_125 = arith.index_cast %swap3A : i32 to index
          %swap3A_126 = arith.index_cast %mul3A_124 : i32 to index
          %swap3A_127 = tpu.vector_load %arg5[%swap3A_125, %swap3A_126] {strides = array<i32>} : memref<8x4096xf32, #tpu.memory_space<vmem>>, vector<1x16xf32>,
          %swap3A_128 = vector.shape_cast %swap3A_127 : vector<1x16xf32> to vector<16xf32>
          %swap3A_129 = vector.shape_cast %select_n3A_122 : vector<16xf32> to vector<1x16xf32>
          tpu.vector_store %arg5[%swap3A_125, %swap3A_126], %swap3A_129 {strides = array<i32>} : memref<8x4096xf32, #tpu.memory_space<vmem>>, vector<1x16xf32>,
          %scan3A_130 = arith.constant 1 : i32
          %scan3A_131 = arith.addi %scan3A_112, %scan3A_130 : i32
          %mul3A_132 = arith.constant 16 : i32
          %mul3A_133 = arith.muli %scan3A_131, %mul3A_132 : i32
          %add3A_134 = arith.addi %mul3A_31, %mul3A_133 : i32
          %get3A_135 = arith.index_cast %add3A_134 : i32 to index
          %get3A_136 = tpu.vector_load %arg4[%get3A_135] {strides = array<i32>} : memref<81920xi32, #tpu.memory_space<vmem>>, vector<16xi32>,
          %get3A_137 = vector.shape_cast %get3A_136 : vector<16xi32> to vector<16xi32>
          %eq3A_138 = vector.broadcast %sub3A_106 : i32 to vector<16xi32>
          %eq3A_139 = arith.cmpi eq, %get3A_137, %eq3A_138 : vector<16xi32>
          %jit3A_140 = arith.constant 1.000000e+00 : f32
          %jit3A_141 = arith.constant 0.000000e+00 : f32
          %broadcast_in_dim3A_142 = vector.broadcast %jit3A_140 : f32 to vector<16xf32>
          %broadcast_in_dim3A_143 = vector.broadcast %jit3A_141 : f32 to vector<16xf32>
          %select_n3A_144 = arith.select %eq3A_139, %broadcast_in_dim3A_142, %broadcast_in_dim3A_143 : vector<16xi1>, vector<16xf32>
          %mul3A_145 = arith.constant 16 : i32
          %mul3A_146 = arith.muli %scan3A_131, %mul3A_145 : i32
          %swap3A_147 = arith.constant 7 : i32
          %swap3A_148 = arith.index_cast %swap3A_147 : i32 to index
          %swap3A_149 = arith.index_cast %mul3A_146 : i32 to index
          %swap3A_150 = tpu.vector_load %arg5[%swap3A_148, %swap3A_149] {strides = array<i32>} : memref<8x4096xf32, #tpu.memory_space<vmem>>, vector<1x16xf32>,
          %swap3A_151 = vector.shape_cast %swap3A_150 : vector<1x16xf32> to vector<16xf32>
          %swap3A_152 = vector.shape_cast %select_n3A_144 : vector<16xf32> to vector<1x16xf32>
          tpu.vector_store %arg5[%swap3A_148, %swap3A_149], %swap3A_152 {strides = array<i32>} : memref<8x4096xf32, #tpu.memory_space<vmem>>, vector<1x16xf32>,
          %scan3A_153 = arith.constant 2 : i32
          %scan3A_154 = arith.addi %scan3A_112, %scan3A_153 : i32
          %mul3A_155 = arith.constant 16 : i32
          %mul3A_156 = arith.muli %scan3A_154, %mul3A_155 : i32
          %add3A_157 = arith.addi %mul3A_31, %mul3A_156 : i32
          %get3A_158 = arith.index_cast %add3A_157 : i32 to index
          %get3A_159 = tpu.vector_load %arg4[%get3A_158] {strides = array<i32>} : memref<81920xi32, #tpu.memory_space<vmem>>, vector<16xi32>,
          %get3A_160 = vector.shape_cast %get3A_159 : vector<16xi32> to vector<16xi32>
          %eq3A_161 = vector.broadcast %sub3A_106 : i32 to vector<16xi32>
          %eq3A_162 = arith.cmpi eq, %get3A_160, %eq3A_161 : vector<16xi32>
          %jit3A_163 = arith.constant 1.000000e+00 : f32
          %jit3A_164 = arith.constant 0.000000e+00 : f32
          %broadcast_in_dim3A_165 = vector.broadcast %jit3A_163 : f32 to vector<16xf32>
          %broadcast_in_dim3A_166 = vector.broadcast %jit3A_164 : f32 to vector<16xf32>
          %select_n3A_167 = arith.select %eq3A_162, %broadcast_in_dim3A_165, %broadcast_in_dim3A_166 : vector<16xi1>, vector<16xf32>
          %mul3A_168 = arith.constant 16 : i32
          %mul3A_169 = arith.muli %scan3A_154, %mul3A_168 : i32
          %swap3A_170 = arith.constant 7 : i32
          %swap3A_171 = arith.index_cast %swap3A_170 : i32 to index
          %swap3A_172 = arith.index_cast %mul3A_169 : i32 to index
          %swap3A_173 = tpu.vector_load %arg5[%swap3A_171, %swap3A_172] {strides = array<i32>} : memref<8x4096xf32, #tpu.memory_space<vmem>>, vector<1x16xf32>,
          %swap3A_174 = vector.shape_cast %swap3A_173 : vector<1x16xf32> to vector<16xf32>
          %swap3A_175 = vector.shape_cast %select_n3A_167 : vector<16xf32> to vector<1x16xf32>
          tpu.vector_store %arg5[%swap3A_171, %swap3A_172], %swap3A_175 {strides = array<i32>} : memref<8x4096xf32, #tpu.memory_space<vmem>>, vector<1x16xf32>,
          %scan3A_176 = arith.constant 3 : i32
          %scan3A_177 = arith.addi %scan3A_112, %scan3A_176 : i32
          %mul3A_178 = arith.constant 16 : i32
          %mul3A_179 = arith.muli %scan3A_177, %mul3A_178 : i32
          %add3A_180 = arith.addi %mul3A_31, %mul3A_179 : i32
          %get3A_181 = arith.index_cast %add3A_180 : i32 to index
          %get3A_182 = tpu.vector_load %arg4[%get3A_181] {strides = array<i32>} : memref<81920xi32, #tpu.memory_space<vmem>>, vector<16xi32>,
          %get3A_183 = vector.shape_cast %get3A_182 : vector<16xi32> to vector<16xi32>
          %eq3A_184 = vector.broadcast %sub3A_106 : i32 to vector<16xi32>
          %eq3A_185 = arith.cmpi eq, %get3A_183, %eq3A_184 : vector<16xi32>
          %jit3A_186 = arith.constant 1.000000e+00 : f32
          %jit3A_187 = arith.constant 0.000000e+00 : f32
          %broadcast_in_dim3A_188 = vector.broadcast %jit3A_186 : f32 to vector<16xf32>
          %broadcast_in_dim3A_189 = vector.broadcast %jit3A_187 : f32 to vector<16xf32>
          %select_n3A_190 = arith.select %eq3A_185, %broadcast_in_dim3A_188, %broadcast_in_dim3A_189 : vector<16xi1>, vector<16xf32>
          %mul3A_191 = arith.constant 16 : i32
          %mul3A_192 = arith.muli %scan3A_177, %mul3A_191 : i32
          %swap3A_193 = arith.constant 7 : i32
          %swap3A_194 = arith.index_cast %swap3A_193 : i32 to index
          %swap3A_195 = arith.index_cast %mul3A_192 : i32 to index
          %swap3A_196 = tpu.vector_load %arg5[%swap3A_194, %swap3A_195] {strides = array<i32>} : memref<8x4096xf32, #tpu.memory_space<vmem>>, vector<1x16xf32>,
          %swap3A_197 = vector.shape_cast %swap3A_196 : vector<1x16xf32> to vector<16xf32>
          %swap3A_198 = vector.shape_cast %select_n3A_190 : vector<16xf32> to vector<1x16xf32>
          tpu.vector_store %arg5[%swap3A_194, %swap3A_195], %swap3A_198 {strides = array<i32>} : memref<8x4096xf32, #tpu.memory_space<vmem>>, vector<1x16xf32>,
          %scan3A_199 = arith.constant 4 : i32
          %scan3A_200 = arith.addi %scan3A_112, %scan3A_199 : i32
          %mul3A_201 = arith.constant 16 : i32
          %mul3A_202 = arith.muli %scan3A_200, %mul3A_201 : i32
          %add3A_203 = arith.addi %mul3A_31, %mul3A_202 : i32
          %get3A_204 = arith.index_cast %add3A_203 : i32 to index
          %get3A_205 = tpu.vector_load %arg4[%get3A_204] {strides = array<i32>} : memref<81920xi32, #tpu.memory_space<vmem>>, vector<16xi32>,
          %get3A_206 = vector.shape_cast %get3A_205 : vector<16xi32> to vector<16xi32>
          %eq3A_207 = vector.broadcast %sub3A_106 : i32 to vector<16xi32>
          %eq3A_208 = arith.cmpi eq, %get3A_206, %eq3A_207 : vector<16xi32>
          %jit3A_209 = arith.constant 1.000000e+00 : f32
          %jit3A_210 = arith.constant 0.000000e+00 : f32
          %broadcast_in_dim3A_211 = vector.broadcast %jit3A_209 : f32 to vector<16xf32>
          %broadcast_in_dim3A_212 = vector.broadcast %jit3A_210 : f32 to vector<16xf32>
          %select_n3A_213 = arith.select %eq3A_208, %broadcast_in_dim3A_211, %broadcast_in_dim3A_212 : vector<16xi1>, vector<16xf32>
          %mul3A_214 = arith.constant 16 : i32
          %mul3A_215 = arith.muli %scan3A_200, %mul3A_214 : i32
          %swap3A_216 = arith.constant 7 : i32
          %swap3A_217 = arith.index_cast %swap3A_216 : i32 to index
          %swap3A_218 = arith.index_cast %mul3A_215 : i32 to index
          %swap3A_219 = tpu.vector_load %arg5[%swap3A_217, %swap3A_218] {strides = array<i32>} : memref<8x4096xf32, #tpu.memory_space<vmem>>, vector<1x16xf32>,
          %swap3A_220 = vector.shape_cast %swap3A_219 : vector<1x16xf32> to vector<16xf32>
          %swap3A_221 = vector.shape_cast %select_n3A_213 : vector<16xf32> to vector<1x16xf32>
          tpu.vector_store %arg5[%swap3A_217, %swap3A_218], %swap3A_221 {strides = array<i32>} : memref<8x4096xf32, #tpu.memory_space<vmem>>, vector<1x16xf32>,
          %scan3A_222 = arith.constant 5 : i32
          %scan3A_223 = arith.addi %scan3A_112, %scan3A_222 : i32
          %mul3A_224 = arith.constant 16 : i32
          %mul3A_225 = arith.muli %scan3A_223, %mul3A_224 : i32
          %add3A_226 = arith.addi %mul3A_31, %mul3A_225 : i32
          %get3A_227 = arith.index_cast %add3A_226 : i32 to index
          %get3A_228 = tpu.vector_load %arg4[%get3A_227] {strides = array<i32>} : memref<81920xi32, #tpu.memory_space<vmem>>, vector<16xi32>,
          %get3A_229 = vector.shape_cast %get3A_228 : vector<16xi32> to vector<16xi32>
          %eq3A_230 = vector.broadcast %sub3A_106 : i32 to vector<16xi32>
          %eq3A_231 = arith.cmpi eq, %get3A_229, %eq3A_230 : vector<16xi32>
          %jit3A_232 = arith.constant 1.000000e+00 : f32
          %jit3A_233 = arith.constant 0.000000e+00 : f32
          %broadcast_in_dim3A_234 = vector.broadcast %jit3A_232 : f32 to vector<16xf32>
          %broadcast_in_dim3A_235 = vector.broadcast %jit3A_233 : f32 to vector<16xf32>
          %select_n3A_236 = arith.select %eq3A_231, %broadcast_in_dim3A_234, %broadcast_in_dim3A_235 : vector<16xi1>, vector<16xf32>
          %mul3A_237 = arith.constant 16 : i32
          %mul3A_238 = arith.muli %scan3A_223, %mul3A_237 : i32
          %swap3A_239 = arith.constant 7 : i32
          %swap3A_240 = arith.index_cast %swap3A_239 : i32 to index
          %swap3A_241 = arith.index_cast %mul3A_238 : i32 to index
          %swap3A_242 = tpu.vector_load %arg5[%swap3A_240, %swap3A_241] {strides = array<i32>} : memref<8x4096xf32, #tpu.memory_space<vmem>>, vector<1x16xf32>,
          %swap3A_243 = vector.shape_cast %swap3A_242 : vector<1x16xf32> to vector<16xf32>
          %swap3A_244 = vector.shape_cast %select_n3A_236 : vector<16xf32> to vector<1x16xf32>
          tpu.vector_store %arg5[%swap3A_240, %swap3A_241], %swap3A_244 {strides = array<i32>} : memref<8x4096xf32, #tpu.memory_space<vmem>>, vector<1x16xf32>,
          %scan3A_245 = arith.constant 6 : i32
          %scan3A_246 = arith.addi %scan3A_112, %scan3A_245 : i32
          %mul3A_247 = arith.constant 16 : i32
          %mul3A_248 = arith.muli %scan3A_246, %mul3A_247 : i32
          %add3A_249 = arith.addi %mul3A_31, %mul3A_248 : i32
          %get3A_250 = arith.index_cast %add3A_249 : i32 to index
          %get3A_251 = tpu.vector_load %arg4[%get3A_250] {strides = array<i32>} : memref<81920xi32, #tpu.memory_space<vmem>>, vector<16xi32>,
          %get3A_252 = vector.shape_cast %get3A_251 : vector<16xi32> to vector<16xi32>
          %eq3A_253 = vector.broadcast %sub3A_106 : i32 to vector<16xi32>
          %eq3A_254 = arith.cmpi eq, %get3A_252, %eq3A_253 : vector<16xi32>
          %jit3A_255 = arith.constant 1.000000e+00 : f32
          %jit3A_256 = arith.constant 0.000000e+00 : f32
          %broadcast_in_dim3A_257 = vector.broadcast %jit3A_255 : f32 to vector<16xf32>
          %broadcast_in_dim3A_258 = vector.broadcast %jit3A_256 : f32 to vector<16xf32>
          %select_n3A_259 = arith.select %eq3A_254, %broadcast_in_dim3A_257, %broadcast_in_dim3A_258 : vector<16xi1>, vector<16xf32>
          %mul3A_260 = arith.constant 16 : i32
          %mul3A_261 = arith.muli %scan3A_246, %mul3A_260 : i32
          %swap3A_262 = arith.constant 7 : i32
          %swap3A_263 = arith.index_cast %swap3A_262 : i32 to index
          %swap3A_264 = arith.index_cast %mul3A_261 : i32 to index
          %swap3A_265 = tpu.vector_load %arg5[%swap3A_263, %swap3A_264] {strides = array<i32>} : memref<8x4096xf32, #tpu.memory_space<vmem>>, vector<1x16xf32>,
          %swap3A_266 = vector.shape_cast %swap3A_265 : vector<1x16xf32> to vector<16xf32>
          %swap3A_267 = vector.shape_cast %select_n3A_259 : vector<16xf32> to vector<1x16xf32>
          tpu.vector_store %arg5[%swap3A_263, %swap3A_264], %swap3A_267 {strides = array<i32>} : memref<8x4096xf32, #tpu.memory_space<vmem>>, vector<1x16xf32>,
          %scan3A_268 = arith.constant 7 : i32
          %scan3A_269 = arith.addi %scan3A_112, %scan3A_268 : i32
          %mul3A_270 = arith.constant 16 : i32
          %mul3A_271 = arith.muli %scan3A_269, %mul3A_270 : i32
          %add3A_272 = arith.addi %mul3A_31, %mul3A_271 : i32
          %get3A_273 = arith.index_cast %add3A_272 : i32 to index
          %get3A_274 = tpu.vector_load %arg4[%get3A_273] {strides = array<i32>} : memref<81920xi32, #tpu.memory_space<vmem>>, vector<16xi32>,
          %get3A_275 = vector.shape_cast %get3A_274 : vector<16xi32> to vector<16xi32>
          %eq3A_276 = vector.broadcast %sub3A_106 : i32 to vector<16xi32>
          %eq3A_277 = arith.cmpi eq, %get3A_275, %eq3A_276 : vector<16xi32>
          %jit3A_278 = arith.constant 1.000000e+00 : f32
          %jit3A_279 = arith.constant 0.000000e+00 : f32
          %broadcast_in_dim3A_280 = vector.broadcast %jit3A_278 : f32 to vector<16xf32>
          %broadcast_in_dim3A_281 = vector.broadcast %jit3A_279 : f32 to vector<16xf32>
          %select_n3A_282 = arith.select %eq3A_277, %broadcast_in_dim3A_280, %broadcast_in_dim3A_281 : vector<16xi1>, vector<16xf32>
          %mul3A_283 = arith.constant 16 : i32
          %mul3A_284 = arith.muli %scan3A_269, %mul3A_283 : i32
          %swap3A_285 = arith.constant 7 : i32
          %swap3A_286 = arith.index_cast %swap3A_285 : i32 to index
          %swap3A_287 = arith.index_cast %mul3A_284 : i32 to index
          %swap3A_288 = tpu.vector_load %arg5[%swap3A_286, %swap3A_287] {strides = array<i32>} : memref<8x4096xf32, #tpu.memory_space<vmem>>, vector<1x16xf32>,
          %swap3A_289 = vector.shape_cast %swap3A_288 : vector<1x16xf32> to vector<16xf32>
          %swap3A_290 = vector.shape_cast %select_n3A_282 : vector<16xf32> to vector<1x16xf32>
          tpu.vector_store %arg5[%swap3A_286, %swap3A_287], %swap3A_290 {strides = array<i32>} : memref<8x4096xf32, #tpu.memory_space<vmem>>, vector<1x16xf32>,
        }
        %scan3A_111 = arith.constant 256 : i32
        "tpu.region"() ({
          %run_scoped3A = tpu.sem_alloc : memref<!tpu.dma_semaphore, #tpu.memory_space<semaphore_mem>>
          %dma_start3A = arith.constant 0 : i32
          %dma_start3A_112 = tpu.memref_slice %arg3[%mul3A_13, %dma_start3A] : memref<20000x4096xf32, #tpu.memory_space<hbm>> -> memref<8x4096xf32, #tpu.memory_space<hbm>>
          %dma_start3A_113 = arith.constant 0 : i32
          %dma_start3A_114 = tpu.memref_slice %arg3[%mul3A_13, %dma_start3A_113] : memref<20000x4096xf32, #tpu.memory_space<hbm>> -> memref<8x4096xf32, #tpu.memory_space<hbm>>
          tpu.enqueue_dma source(%arg5 : memref<8x4096xf32, #tpu.memory_space<vmem>>) target(%dma_start3A_114 : memref<8x4096xf32, #tpu.memory_space<hbm>>) target_semaphore(%run_scoped3A : memref<!tpu.dma_semaphore, #tpu.memory_space<semaphore_mem>>)
          %dma_wait3A = arith.constant 0 : i32
          %dma_wait3A_115 = tpu.memref_slice %arg3[%mul3A_13, %dma_wait3A] : memref<20000x4096xf32, #tpu.memory_space<hbm>> -> memref<8x4096xf32, #tpu.memory_space<hbm>>
          %dma_wait3A_116 = arith.constant 0 : i32
          %dma_wait3A_117 = tpu.memref_slice %arg3[%mul3A_13, %dma_wait3A_116] : memref<20000x4096xf32, #tpu.memory_space<hbm>> -> memref<8x4096xf32, #tpu.memory_space<hbm>>
          tpu.wait_dma2 semaphore(%run_scoped3A : memref<!tpu.dma_semaphore, #tpu.memory_space<semaphore_mem>>) src(%arg5 : memref<8x4096xf32, #tpu.memory_space<vmem>>) dst(%dma_wait3A_117 : memref<8x4096xf32, #tpu.memory_space<hbm>>)
          tpu.yield
        }) : () -> ()
      } else {
      }
    }
    %scan3A_5 = arith.constant 79 : i32
    return
  }
}

</mosaic_0001>

<sc_bundles>
// kernel: kernel.3.cloned.1.call-start
scs
__scs_entry_jumppad:
0x0: {  	(pc) =	sbr.rel $0x88, $3  }
0x1: {  	(tag) =	ssettag $0x0;
	lr =	simm.s32 $0x1  }
0x2: {  	[smem:$0x3FA0] =	sst lr;
	_ =	strace $0xD0000000  }
0x3: {  	_ = 	snop  }
0x4: {  	_ = 	snop  }
0x5: {  	_ = 	snop  }
0x6: {  	_ = 	snop  }
0x7: {  	_ = 	snop  }
__scs_overlays_trampoline_lowered:
0x8: {  	[smem:$0x3FAF] =	sst s0  }
0x9: {  	[smem:$0x3FB0] =	sst s1  }
0xa: {  	[smem:$0x3FB1] =	sst s2  }
0xb: {  	[smem:$0x3FB2] =	sst s3  }
0xc: {  	[smem:$0x3FB3] =	sst s4  }
0xd: {  	[smem:$0x3FB4] =	sst s5  }
0xe: {  	[smem:$0x3FB5] =	sst s6  }
0xf: {  	[smem:$0x3FB6] =	sst s7  }
0x10: {  	[smem:$0x3FB7] =	sst s8  }
0x11: {  	[smem:$0x3FB8] =	sst s9;
	s0 =	simm.s32 @!p0 $0x0  }
0x12: {  	s1 =	sld [smem:$0x3F9E];
	s0 =	simm.s32 @p0 $0x1  }
0x13: {  	[smem:$0x3FB9] =	sst s0;
	s0 =	simm.s32 @!p1 $0x0  }
0x14: {  	s2 =	sld [smem:$0x3F9D];
	s0 =	simm.s32 @p1 $0x1  }
0x15: {  	[smem:$0x3FBA] =	sst s0;
	s0 =	simm.s32 @!p2 $0x0  }
0x16: {  	s3 =	sld [smem:$0x3FDB];
	s0 =	simm.s32 @p2 $0x1  }
0x17: {  	s4 =	simm.s32 $0x1BF5;
	[smem:$0x3FBC] =	sst s0  }
0x18: {  	s0 =	sld [smem:$0x3F9F];
	_ =	swait.ge [sflag:s4], $0x0  }
0x19: {  	s7 =	sld [smem:$0x3FA0]  }
0x1a: {  	s8 =	sadd.s32 $0xFFFFE003, lr  }
0x1b: {  	s9 =	sadd.s32 $0xFFFFFEF7, lr;
	s5 =	simm.s32 $0xFFFFFFFF;
	p2 =	slt.u32 s8, $0xFFFFF086  }
0x1c: {  	p1 =	slt.u32 s9, $0xF7A;
	s5 =	simm.s32 @!p2 $0x0  }
0x1d: {  	s5 =	simm.s32 @p1 $0x1;
	p0 =	seq.s32 s7, s2  }
0x1e: {  	s7 =	smul.u32 @!p0 $0xF7A, s2;
	p2 =	seq.s32 @!p0 s5, $0x0  }
0x1f: {  	s9 =	smul.u32 $0xF7A, s1;
	s8 =	simm.s32 @!p0 $0x1BF5;
	p2 =	por !p2, p0  }
0x20: {  	[sflag:s8] =	ssyncset.s32 @!p0 $0xFFFFF086;
	s6 =	sadd.s32 @!p0 s3, s7;
	s7 =	simm.s32 @!p0 $0x108  }
0x21: {  	s3 =	sadd.s32 s3, s9;
	s6 =	sadd.s32 @!p0 $0x88, s6;
	s7 =	simm.s32 @p2 $0x1082  }
0x22: {  	[simem:s7], [sflag:s8] =	dma.local @!p0 [hbm:s6], $0xF7A  }
0x23: {  	s9 =	sor.u32 $0xD0000000, s2;
	s6 =	simm.s32 $0x108;
	_ =	swait.ge @!p0 [sflag:s8], $0x0  }
0x24: {  	s3 =	sadd.s32 $0x88, s3;
	s6 =	simm.s32 @!p1 $0x1082;
	[sflag:s4] =	ssyncset.s32 $0xFFFFF086  }
0x25: {  	[simem:s6], [sflag:s4] =	dma.local [hbm:s3], $0xF7A  }
0x26: {  	[smem:$0x3FA0] =	sst s1;
	(tag) =	ssettag s2;
	_ =	strace s9  }
0x27: {  	s1 =	sld [smem:$0x3FB0]  }
0x28: {  	s2 =	sld [smem:$0x3FB1]  }
0x29: {  	s4 =	sld [smem:$0x3FB3]  }
0x2a: {  	p0 =	seq.s32 s5, $0x0;
	s5 =	sld [smem:$0x3FB4]  }
0x2b: {  	s6 =	sld [smem:$0x3FB5]  }
0x2c: {  	s7 =	sld [smem:$0x3FB6]  }
0x2d: {  	s3 =	simm.s32 $0x108;
	s8 =	sld [smem:$0x3FB7]  }
0x2e: {  	s3 =	simm.s32 @!p0 $0x1082;
	s9 =	sld [smem:$0x3FB8]  }
0x2f: {  	lr =	sadd.s32 s0, s3;
	s0 =	sld [smem:$0x3FAF]  }
0x30: {  	s3 =	sld [smem:$0x3FB2]  }
0x31: {  	[smem:$0x3FBB] =	sst s10  }
0x32: {  	s10 =	sld [smem:$0x3FB9];
	_ =	sdelay $0x3  }
0x33: {  	p0 =	seq.s32 s10, $0x1;
	s10 =	sld [smem:$0x3FBB];
	_ =	sdelay $0x3  }
0x34: {  	[smem:$0x3FBB] =	sst s10  }
0x35: {  	s10 =	sld [smem:$0x3FBA];
	_ =	sdelay $0x3  }
0x36: {  	p1 =	seq.s32 s10, $0x1;
	s10 =	sld [smem:$0x3FBB];
	_ =	sdelay $0x3  }
0x37: {  	[smem:$0x3FBB] =	sst s10  }
0x38: {  	s10 =	sld [smem:$0x3FBC]  }
0x39: {  	_ = 	snop;
	(pc) =	sbr.ind lr, $3  }
0x3a: {  	_ = 	snop  }
0x3b: {  	_ = 	snop  }
0x3c: {  	p2 =	seq.s32 s10, $0x1;
	s10 =	sld [smem:$0x3FBB]  }
0x3d: {  	_ =	shalt  }
0x3e: {  	_ =	shalt  }
0x3f: {  	_ =	shalt  }
0x40: {  	_ =	shalt  }
0x41: {  	_ =	shalt  }
0x42: {  	_ =	shalt  }
0x43: {  	_ =	shalt  }
0x44: {  	_ =	shalt  }
0x45: {  	_ =	shalt  }
0x46: {  	_ =	shalt  }
0x47: {  	_ =	shalt  }
0x48: {  	_ =	shalt  }
0x49: {  	_ =	shalt  }
0x4a: {  	_ =	shalt  }
0x4b: {  	_ =	shalt  }
0x4c: {  	_ =	shalt  }
0x4d: {  	_ =	shalt  }
0x4e: {  	_ =	shalt  }
0x4f: {  	_ =	shalt  }
0x50: {  	_ =	shalt  }
0x51: {  	_ =	shalt  }
0x52: {  	_ =	shalt  }
0x53: {  	_ =	shalt  }
0x54: {  	_ =	shalt  }
0x55: {  	_ =	shalt  }
0x56: {  	_ =	shalt  }
0x57: {  	_ =	shalt  }
0x58: {  	_ =	shalt  }
0x59: {  	_ =	shalt  }
0x5a: {  	_ =	shalt  }
0x5b: {  	_ =	shalt  }
0x5c: {  	_ =	shalt  }
0x5d: {  	_ =	shalt  }
0x5e: {  	_ =	shalt  }
0x5f: {  	_ =	shalt  }
0x60: {  	_ =	shalt  }
0x61: {  	_ =	shalt  }
0x62: {  	_ =	shalt  }
0x63: {  	_ =	shalt  }
0x64: {  	_ =	shalt  }
0x65: {  	_ =	shalt  }
0x66: {  	_ =	shalt  }
0x67: {  	_ =	shalt  }
0x68: {  	_ =	shalt  }
0x69: {  	_ =	shalt  }
0x6a: {  	_ =	shalt  }
0x6b: {  	_ =	shalt  }
0x6c: {  	_ =	shalt  }
0x6d: {  	_ =	shalt  }
0x6e: {  	_ =	shalt  }
0x6f: {  	_ =	shalt  }
0x70: {  	_ =	shalt  }
0x71: {  	_ =	shalt  }
0x72: {  	_ =	shalt  }
0x73: {  	_ =	shalt  }
0x74: {  	_ =	shalt  }
0x75: {  	_ =	shalt  }
0x76: {  	_ =	shalt  }
0x77: {  	_ =	shalt  }
0x78: {  	_ =	shalt  }
0x79: {  	_ =	shalt  }
0x7a: {  	_ =	shalt  }
0x7b: {  	_ =	shalt  }
0x7c: {  	_ =	shalt  }
0x7d: {  	_ =	shalt  }
0x7e: {  	_ =	shalt  }
0x7f: {  	_ =	shalt  }
0x80: {  	_ =	shalt  }
0x81: {  	_ =	shalt  }
0x82: {  	_ =	shalt  }
0x83: {  	_ =	shalt  }
0x84: {  	_ =	shalt  }
0x85: {  	_ =	shalt  }
0x86: {  	_ =	shalt  }
0x87: {  	_ =	shalt  }
.Lfunc_end0:
.L_simem_size_0:
called_computation_lowered:
.L_overlay_start_0:
0x88: {  	s2 =	sld [smem:$0x3FD9]  }
0x89: {  	s3 =	sld [smem:$0x3FFE];
	_ =	sdelay $0x1  }
0x8a: {  	s1 =	srdreg.scid  }
0x8b: {  	s0 =	sand.u32 $0x1, s1  }
0x8c: {  	s17 =	sshll.u32 s0, $0xA;
	s2 =	sadd.s32 s3, s2  }
0x8d: {  	s2 =	sadd.s32 s2, s17  }
0x8e: {  	[smem:$0x3FC7] =	sst s2  }
0x8f: {  	_ = 	snop  }
0x90: {  	s2 =	sld [smem:$0x3FD0];
	(tm) =	ssettm $0x1  }
0x91: {  	s18 =	sld [smem:$0x3FFB];
	_ =	sdelay $0x3  }
0x92: {  	_ =	strace s18  }
0x93: {  	s3 =	sld [smem:$0x3FFC];
	_ =	sdelay $0x3  }
0x94: {  	_ =	strace s3  }
0x95: {  	s3 =	sld [smem:$0x3FFD];
	_ =	sdelay $0x3  }
0x96: {  	_ =	strace s3  }
0x97: {  	_ =	strace $0x8FFFFFFF  }
0x98: {  	s19 =	sld [smem:$0x3FDB];
	_ =	sdelay $0x1  }
0x99: {  	s4 =	simm.s32 $_scs_section_size  }
0x9a: {  	s5 =	simm.s32 $_size__tile_overlayer_lowered;
	s6 =	simm.s32 $_tile_overlayer_lowered  }
0x9b: {  	s22 =	simm.s32 $0x1BFF;
	s21 =	sshll.u32 s6, $0x1;
	s3 =	sadd.s32 s4, s19  }
0x9c: {  	s7 =	simm.s32 $0x0;
	s20 =	sshll.u32 s5, $0x1;
	s5 =	sadd.s32 s21, s3  }
0x9d: {  	[timem:s7], [sflag:s22] =	dma.local [hbm:s5], s20  }
0x9e: {  	_ =	swait.ge [sflag:s22], s20  }
0x9f: {  	s4 =	ssub.s32 $0x0, s20;
	[sflag:s22] =	ssyncset.done $0x0  }
0xa0: {  	[sflag:s22] =	ssyncadd.s32 s4;
	_ =	sdelay $0x1  }
0xa1: {  	s23 =	simm.s32 $0x1B8B  }
0xa2: {  	_ =	swait.ge [sflag:s23], $0x1  }
0xa3: {  	[sflag:s23] =	ssyncset.done $0x0  }
0xa4: {  	s25 =	simm.s32 $0x1B8E;
	s24 =	sld [smem:$0x3FFE];
	[sflag:s23] =	ssyncadd.s32 $0xFFFFFFFF  }
0xa5: {  	s26 =	simm.s32 $execute0_lowered;
	[smem:$0x3FD2] =	sst s25  }
0xa6: {  	s5 =	sshll.u32 s26, $0x1;
	_ =	strace $0x80000046;
	[dreg:$0x1] =	wrdreg $0xFFFFFFFF  }
0xa7: {  	s28 =	simm.s32 $_size_execute0_lowered;
	s3 =	sadd.s32 s3, s5;
	[dreg:$0x0] =	wrdreg $0x0  }
0xa8: {  	s5 =	sshll.u32 s28, $0x1;
	[dreg:$0x2] =	wrdreg s3  }
0xa9: {  	[dreg:$0x3] =	wrdreg s5  }
0xaa: {  	[dreg:$0x4] =	wrdreg $0xC0  }
0xab: {  	_ =	task [dreg:s7], $0x5FFFF  }
0xac: {  	[dreg:$0x1] =	wrdreg $0xFFFFFFFF  }
0xad: {  	[dreg:$0x0] =	wrdreg $0x60  }
0xae: {  	[dreg:$0x2] =	wrdreg s24  }
0xaf: {  	[dreg:$0x3] =	wrdreg s2  }
0xb0: {  	[dreg:$0x4] =	wrdreg $0x9  }
0xb1: {  	_ =	task.clear_ibuf [dreg:s7], $0x5FFFF;
	_ =	strace $0x90000046  }
0xb2: {  	s29 =	simm.s32 $0x9;
	_ =	strace $0x80000048  }
0xb3: {  	_ =	swait.ge [sflag:s29], $0x1  }
0xb4: {  	[sflag:s29] =	ssyncadd.s32 $0xFFFFFFFF  }
0xb5: {  	_ =	strace $0x90000048  }
0xb6: {  	_ =	sfence  }
0xb7: {  	s30 =	sld [smem:$0x0];
	_ =	sdelay $0x2  }
0xb8: {  	s31 =	sshll.u32 s1, $0xD;
	s1 =	sshrl.u32 s1, $0x2  }
0xb9: {  	s3 =	sand.u32 $0x4000, s31;
	s1 =	sadd.s32 s1, s30  }
0xba: {  	s0 =	sor.u32 s3, s0;
	s1 =	sshll.u32 s1, $0x11  }
0xbb: {  	s0 =	sor.u32 s1, s0  }
0xbc: {  	s0 =	sadd.s32 $0x8F2B, s0  }
0xbd: {  	[sflag:s0] =	ssyncadd.remote.s32 $0x1  }
0xbe: {  	_ =	sfence.sel $0xFFFF  }
0xbf: {  	[dreg:$0x0] =	wrdreg $0xFFFFFFFF;
	(pc) =	sbr.abs _section_cstart, $3  }
0xc0: {  	[dreg:$0x1] =	wrdreg $0xFFFFFFFF  }
0xc1: {  	_ =	task.clear_ibuf [dreg:s7], $0x2FFFF;
	_ =	strace $0x9FFFFFFF  }
0xc2: {  	(tm) =	ssettm $0x7FFFFFFF  }
0xc3: {  	_ =	shalt  }
tec
execute0_lowered:
.L_overlay_start_1:
0x0: {  	(tag) =	ssettag $0x1  }
0x1: {  	s6 =	rddreg [dreg:$0x0];
	s0 =	srdreg.scid  }
0x2: {  	s1 =	rddreg [dreg:$0x1];
	s4 =	simm.s32 $0x0;
	s3 =	stileid.u32  }
.Ltmp0:
0x3: {  	s9 =	simm.s32 $0x1;
	s2 =	sand.u32 $0x1, s0;
	(pc) =	sbr.rel .LBB2_1-.Ltmp0, $4  }
0x4: {  	s10 =	simm.s32 $0x14000;
	s0 =	rddreg [dreg:$0x2];
	s5 =	ssub.s32 $0x2, s2  }
0x5: {  	s11 =	simm.s32 $0x0;
	[smem:$0x7FF] =	sst s4;
	s7 =	sshrl.u32 s5, $0x1  }
0x6: {  	s6 =	sadd.s32 $0x400, s6;
	s7 =	ssub.s32 s5, s7;
	s5 =	sshll.u32 s3, $0x1  }
0x7: {  	v0 =	vimm.f32 $0.0e+00;
	_ =	strace $0x80000047;
	s7 =	smax.u32 s7, $0x1;
	s8 =	sor.u32 s2, s5  }
.LBB2_21:
0x8: {  	s11 =	sadd.s32 $0x1, s11  }
0x9: {  	p0 =	sne.s32 s11, s7  }
.Ltmp1:
0xa: {  	_ = 	snop;
	(pc) =	sbr.rel @!p0 .LBB2_22-.Ltmp1, $1  }
0xb: {  	_ =	sdelay $0x3  }
.LBB2_1:
.Ltmp2:
0xc: {  	(pc) =	sbr.rel .LBB2_2-.Ltmp2, $4  }
0xd: {  	[tilespmem:s4], [sflag:$0x1] =	stream.linear.gather [hbm4b:s6+s4], $0x14000, $0x38;
	[tilespmem:$0x1C000] =	vst v63  }
0xe: {  	_ =	swait.ge [sflag:s9], $0x14000  }
0xf: {  	[sflag:s9] =	ssyncset.done $0x0  }
0x10: {  	s12 =	smov.u32 s8;
	s13 =	simm.s32 $0x0;
	[sflag:s9] =	ssyncadd.s32 $0xFFFEC000  }
.LBB2_20:
0x11: {  	s13 =	sadd.s32 $0x1, s13  }
0x12: {  	p0 =	sne.s32 s13, $0x4F  }
.Ltmp3:
0x13: {  	_ = 	snop;
	(pc) =	sbr.rel @!p0 .LBB2_21-.Ltmp3, $2  }
0x14: {  	_ =	sdelay $0x2  }
0x15: {  	s12 =	sadd.s32 $0x20, s12  }
.LBB2_2:
0x16: {  	s14 =	sshll.u32 s13, $0x5  }
0x17: {  	s14 =	sor.u32 s5, s14  }
0x18: {  	p0 =	sgt.u32 s14, $0x9C3  }
.Ltmp4:
0x19: {  	_ = 	snop;
	(pc) =	sbr.rel @p0 .LBB2_20-.Ltmp4, $1  }
0x1a: {  	_ =	sdelay $0x3  }
0x1b: {  	s15 =	smulhi.u32 $0x10624DD3, s12;
	_ =	sdelay $0x1  }
0x1c: {  	s14 =	sor.u32 s2, s14;
	s15 =	sshll.u32 s15, $0x9  }
0x1d: {  	s16 =	smulhi.u32 $0x10624DD3, s14;
	s15 =	sand.u32 $0x3FFFF000, s15  }
0x1e: {  	s15 =	sor.u32 $0x40, s15  }
0x1f: {  	s16 =	sshrl.u32 s16, $0x3;
	v2 =	vld [tilespmem:s15+$0xFFFFFFC0]  }
0x20: {  	s16 =	smul.u32 $0x3E8, s16  }
0x21: {  	s17 =	sshll.u32 s14, $0x3  }
0x22: {  	s18 =	ssub.s32 s17, s16  }
0x23: {  	v1 =	vmov s18  }
0x24: {  	vm0 =	veq.s32 v2, v1  }
0x25: {  	s18 =	simm.s32 $0x14040;
	v2 =	vsel vm0, $0x3F800000, v0  }
0x26: {  	[tilespmem:s18+$0xFFFFFFC0] =	vst v2  }
0x27: {  	v2 =	vld [tilespmem:s15+$0xFFFFFFD0];
	_ =	sdelay $0x4  }
0x28: {  	vm9 =	veq.s32 v2, v1  }
0x29: {  	v2 =	vsel vm9, $0x3F800000, v0  }
0x2a: {  	[tilespmem:s18+$0xFFFFFFD0] =	vst v2  }
0x2b: {  	v2 =	vld [tilespmem:s15+$0xFFFFFFE0];
	_ =	sdelay $0x4  }
0x2c: {  	vm10 =	veq.s32 v2, v1  }
0x2d: {  	v2 =	vsel vm10, $0x3F800000, v0  }
0x2e: {  	[tilespmem:s18+$0xFFFFFFE0] =	vst v2  }
0x2f: {  	v2 =	vld [tilespmem:s15+$0xFFFFFFF0];
	_ =	sdelay $0x4  }
0x30: {  	vm11 =	veq.s32 v2, v1  }
0x31: {  	v2 =	vsel vm11, $0x3F800000, v0  }
0x32: {  	[tilespmem:s18+$0xFFFFFFF0] =	vst v2  }
0x33: {  	v2 =	vld [tilespmem:s15+$0x0];
	_ =	sdelay $0x4  }
0x34: {  	vm12 =	veq.s32 v2, v1  }
0x35: {  	v2 =	vsel vm12, $0x3F800000, v0  }
0x36: {  	[tilespmem:s18+$0x0] =	vst v2  }
0x37: {  	v2 =	vld [tilespmem:s15+$0x10];
	_ =	sdelay $0x4  }
0x38: {  	vm13 =	veq.s32 v2, v1  }
0x39: {  	v2 =	vsel vm13, $0x3F800000, v0  }
0x3a: {  	[tilespmem:s18+$0x10] =	vst v2  }
0x3b: {  	v2 =	vld [tilespmem:s15+$0x20];
	_ =	sdelay $0x4  }
0x3c: {  	vm14 =	veq.s32 v2, v1  }
0x3d: {  	v2 =	vsel vm14, $0x3F800000, v0  }
0x3e: {  	[tilespmem:s18+$0x20] =	vst v2  }
0x3f: {  	v2 =	vld [tilespmem:s15+$0x30];
	_ =	sdelay $0x4  }
0x40: {  	vm15 =	veq.s32 v2, v1  }
0x41: {  	v2 =	vsel vm15, $0x3F800000, v0  }
0x42: {  	s19 =	simm.s32 $0x0;
	s20 =	sadd.s32 $0x80, s15;
	[tilespmem:s18+$0x30] =	vst v2  }
.LBB2_4:
0x43: {  	v2 =	vld [tilespmem:s20+$0xFFFFFFC0];
	s19 =	sadd.s32 $0x8, s19  }
0x44: {  	p0 =	slt.u32 s19, $0xF8;
	_ =	sdelay $0x3  }
0x45: {  	vm0 =	veq.s32 v2, v1  }
0x46: {  	s18 =	sadd.s32 $0x400, s18;
	v2 =	vsel vm0, $0x3F800000, v0  }
0x47: {  	[tilespmem:s18+$0xFFFFFFC0] =	vst v2  }
0x48: {  	v2 =	vld [tilespmem:s20+$0xFFFFFFD0];
	_ =	sdelay $0x4  }
0x49: {  	vm0 =	veq.s32 v2, v1  }
0x4a: {  	v2 =	vsel vm0, $0x3F800000, v0  }
0x4b: {  	[tilespmem:s18+$0xFFFFFFD0] =	vst v2  }
0x4c: {  	v2 =	vld [tilespmem:s20+$0xFFFFFFE0];
	_ =	sdelay $0x4  }
0x4d: {  	vm0 =	veq.s32 v2, v1  }
0x4e: {  	v2 =	vsel vm0, $0x3F800000, v0  }
0x4f: {  	[tilespmem:s18+$0xFFFFFFE0] =	vst v2  }
0x50: {  	v2 =	vld [tilespmem:s20+$0xFFFFFFF0];
	_ =	sdelay $0x4  }
0x51: {  	vm0 =	veq.s32 v2, v1  }
0x52: {  	v2 =	vsel vm0, $0x3F800000, v0  }
0x53: {  	[tilespmem:s18+$0xFFFFFFF0] =	vst v2  }
0x54: {  	v2 =	vld [tilespmem:s20+$0x0];
	_ =	sdelay $0x4  }
0x55: {  	vm0 =	veq.s32 v2, v1  }
0x56: {  	v2 =	vsel vm0, $0x3F800000, v0  }
0x57: {  	[tilespmem:s18+$0x0] =	vst v2  }
0x58: {  	v2 =	vld [tilespmem:s20+$0x10];
	_ =	sdelay $0x4  }
0x59: {  	vm0 =	veq.s32 v2, v1  }
0x5a: {  	v2 =	vsel vm0, $0x3F800000, v0  }
0x5b: {  	[tilespmem:s18+$0x10] =	vst v2  }
0x5c: {  	v2 =	vld [tilespmem:s20+$0x20];
	_ =	sdelay $0x4  }
0x5d: {  	vm0 =	veq.s32 v2, v1  }
0x5e: {  	v2 =	vsel vm0, $0x3F800000, v0  }
0x5f: {  	[tilespmem:s18+$0x20] =	vst v2  }
0x60: {  	v2 =	vld [tilespmem:s20+$0x30];
	_ =	sdelay $0x2  }
.Ltmp5:
0x61: {  	(pc) =	sbr.rel @p0 .LBB2_4-.Ltmp5, $4  }
0x62: {  	_ = 	snop  }
0x63: {  	vm0 =	veq.s32 v2, v1  }
0x64: {  	v2 =	vsel vm0, $0x3F800000, v0  }
0x65: {  	s20 =	sadd.s32 $0x80, s20;
	[tilespmem:s18+$0x30] =	vst v2  }
0x66: {  	v2 =	vld [tilespmem:s15+$0xFFFFFFC0];
	_ =	sdelay $0x1  }
0x67: {  	s18 =	sor.u32 $0x1, s17  }
0x68: {  	s18 =	ssub.s32 s18, s16  }
0x69: {  	v1 =	vmov s18  }
0x6a: {  	vm0 =	veq.s32 v2, v1  }
0x6b: {  	s18 =	simm.s32 $0x140F0;
	v2 =	vsel vm0, $0x3F800000, v0  }
0x6c: {  	[tilespmem:s18+$0xFFFFFF90] =	vst v2  }
0x6d: {  	v2 =	vld [tilespmem:s15+$0xFFFFFFD0];
	_ =	sdelay $0x4  }
0x6e: {  	vm9 =	veq.s32 v2, v1  }
0x6f: {  	v2 =	vsel vm9, $0x3F800000, v0  }
0x70: {  	[tilespmem:s18+$0xFFFFFFA0] =	vst v2  }
0x71: {  	v2 =	vld [tilespmem:s15+$0xFFFFFFE0];
	_ =	sdelay $0x4  }
0x72: {  	vm10 =	veq.s32 v2, v1  }
0x73: {  	v2 =	vsel vm10, $0x3F800000, v0  }
0x74: {  	[tilespmem:s18+$0xFFFFFFB0] =	vst v2  }
0x75: {  	v2 =	vld [tilespmem:s15+$0xFFFFFFF0];
	_ =	sdelay $0x4  }
0x76: {  	vm11 =	veq.s32 v2, v1  }
0x77: {  	v2 =	vsel vm11, $0x3F800000, v0  }
0x78: {  	[tilespmem:s18+$0xFFFFFFC0] =	vst v2  }
0x79: {  	v2 =	vld [tilespmem:s15+$0x0];
	_ =	sdelay $0x4  }
0x7a: {  	vm12 =	veq.s32 v2, v1  }
0x7b: {  	v2 =	vsel vm12, $0x3F800000, v0  }
0x7c: {  	[tilespmem:s18+$0xFFFFFFD0] =	vst v2  }
0x7d: {  	v2 =	vld [tilespmem:s15+$0x10];
	_ =	sdelay $0x4  }
0x7e: {  	vm13 =	veq.s32 v2, v1  }
0x7f: {  	v2 =	vsel vm13, $0x3F800000, v0  }
0x80: {  	[tilespmem:s18+$0xFFFFFFE0] =	vst v2  }
0x81: {  	v2 =	vld [tilespmem:s15+$0x20];
	_ =	sdelay $0x4  }
0x82: {  	vm14 =	veq.s32 v2, v1  }
0x83: {  	v2 =	vsel vm14, $0x3F800000, v0  }
0x84: {  	[tilespmem:s18+$0xFFFFFFF0] =	vst v2  }
0x85: {  	v2 =	vld [tilespmem:s15+$0x30];
	_ =	sdelay $0x4  }
0x86: {  	vm15 =	veq.s32 v2, v1  }
0x87: {  	v2 =	vsel vm15, $0x3F800000, v0  }
0x88: {  	s19 =	simm.s32 $0x0;
	s20 =	sadd.s32 $0x80, s15;
	[tilespmem:s18+$0x0] =	vst v2  }
.LBB2_6:
0x89: {  	v2 =	vld [tilespmem:s20+$0xFFFFFFC0];
	s19 =	sadd.s32 $0x8, s19  }
0x8a: {  	p0 =	slt.u32 s19, $0xF8;
	_ =	sdelay $0x3  }
0x8b: {  	vm0 =	veq.s32 v2, v1  }
0x8c: {  	s18 =	sadd.s32 $0x400, s18;
	v2 =	vsel vm0, $0x3F800000, v0  }
0x8d: {  	[tilespmem:s18+$0xFFFFFF90] =	vst v2  }
0x8e: {  	v2 =	vld [tilespmem:s20+$0xFFFFFFD0];
	_ =	sdelay $0x4  }
0x8f: {  	vm0 =	veq.s32 v2, v1  }
0x90: {  	v2 =	vsel vm0, $0x3F800000, v0  }
0x91: {  	[tilespmem:s18+$0xFFFFFFA0] =	vst v2  }
0x92: {  	v2 =	vld [tilespmem:s20+$0xFFFFFFE0];
	_ =	sdelay $0x4  }
0x93: {  	vm0 =	veq.s32 v2, v1  }
0x94: {  	v2 =	vsel vm0, $0x3F800000, v0  }
0x95: {  	[tilespmem:s18+$0xFFFFFFB0] =	vst v2  }
0x96: {  	v2 =	vld [tilespmem:s20+$0xFFFFFFF0];
	_ =	sdelay $0x4  }
0x97: {  	vm0 =	veq.s32 v2, v1  }
0x98: {  	v2 =	vsel vm0, $0x3F800000, v0  }
0x99: {  	[tilespmem:s18+$0xFFFFFFC0] =	vst v2  }
0x9a: {  	v2 =	vld [tilespmem:s20+$0x0];
	_ =	sdelay $0x4  }
0x9b: {  	vm0 =	veq.s32 v2, v1  }
0x9c: {  	v2 =	vsel vm0, $0x3F800000, v0  }
0x9d: {  	[tilespmem:s18+$0xFFFFFFD0] =	vst v2  }
0x9e: {  	v2 =	vld [tilespmem:s20+$0x10];
	_ =	sdelay $0x4  }
0x9f: {  	vm0 =	veq.s32 v2, v1  }
0xa0: {  	v2 =	vsel vm0, $0x3F800000, v0  }
0xa1: {  	[tilespmem:s18+$0xFFFFFFE0] =	vst v2  }
0xa2: {  	v2 =	vld [tilespmem:s20+$0x20];
	_ =	sdelay $0x4  }
0xa3: {  	vm0 =	veq.s32 v2, v1  }
0xa4: {  	v2 =	vsel vm0, $0x3F800000, v0  }
0xa5: {  	[tilespmem:s18+$0xFFFFFFF0] =	vst v2  }
0xa6: {  	v2 =	vld [tilespmem:s20+$0x30];
	_ =	sdelay $0x2  }
.Ltmp6:
0xa7: {  	(pc) =	sbr.rel @p0 .LBB2_6-.Ltmp6, $4  }
0xa8: {  	_ = 	snop  }
0xa9: {  	vm0 =	veq.s32 v2, v1  }
0xaa: {  	v2 =	vsel vm0, $0x3F800000, v0  }
0xab: {  	s20 =	sadd.s32 $0x80, s20;
	[tilespmem:s18+$0x0] =	vst v2  }
0xac: {  	v2 =	vld [tilespmem:s15+$0xFFFFFFC0];
	_ =	sdelay $0x1  }
0xad: {  	s18 =	sor.u32 $0x2, s17  }
0xae: {  	s18 =	ssub.s32 s18, s16  }
0xaf: {  	v1 =	vmov s18  }
0xb0: {  	vm0 =	veq.s32 v2, v1  }
0xb1: {  	s18 =	simm.s32 $0x14170;
	v2 =	vsel vm0, $0x3F800000, v0  }
0xb2: {  	[tilespmem:s18+$0xFFFFFF90] =	vst v2  }
0xb3: {  	v2 =	vld [tilespmem:s15+$0xFFFFFFD0];
	_ =	sdelay $0x4  }
0xb4: {  	vm9 =	veq.s32 v2, v1  }
0xb5: {  	v2 =	vsel vm9, $0x3F800000, v0  }
0xb6: {  	[tilespmem:s18+$0xFFFFFFA0] =	vst v2  }
0xb7: {  	v2 =	vld [tilespmem:s15+$0xFFFFFFE0];
	_ =	sdelay $0x4  }
0xb8: {  	vm10 =	veq.s32 v2, v1  }
0xb9: {  	v2 =	vsel vm10, $0x3F800000, v0  }
0xba: {  	[tilespmem:s18+$0xFFFFFFB0] =	vst v2  }
0xbb: {  	v2 =	vld [tilespmem:s15+$0xFFFFFFF0];
	_ =	sdelay $0x4  }
0xbc: {  	vm11 =	veq.s32 v2, v1  }
0xbd: {  	v2 =	vsel vm11, $0x3F800000, v0  }
0xbe: {  	[tilespmem:s18+$0xFFFFFFC0] =	vst v2  }
0xbf: {  	v2 =	vld [tilespmem:s15+$0x0];
	_ =	sdelay $0x4  }
0xc0: {  	vm12 =	veq.s32 v2, v1  }
0xc1: {  	v2 =	vsel vm12, $0x3F800000, v0  }
0xc2: {  	[tilespmem:s18+$0xFFFFFFD0] =	vst v2  }
0xc3: {  	v2 =	vld [tilespmem:s15+$0x10];
	_ =	sdelay $0x4  }
0xc4: {  	vm13 =	veq.s32 v2, v1  }
0xc5: {  	v2 =	vsel vm13, $0x3F800000, v0  }
0xc6: {  	[tilespmem:s18+$0xFFFFFFE0] =	vst v2  }
0xc7: {  	v2 =	vld [tilespmem:s15+$0x20];
	_ =	sdelay $0x4  }
0xc8: {  	vm14 =	veq.s32 v2, v1  }
0xc9: {  	v2 =	vsel vm14, $0x3F800000, v0  }
0xca: {  	[tilespmem:s18+$0xFFFFFFF0] =	vst v2  }
0xcb: {  	v2 =	vld [tilespmem:s15+$0x30];
	_ =	sdelay $0x4  }
0xcc: {  	vm15 =	veq.s32 v2, v1  }
0xcd: {  	v2 =	vsel vm15, $0x3F800000, v0  }
0xce: {  	s19 =	simm.s32 $0x0;
	s20 =	sadd.s32 $0x80, s15;
	[tilespmem:s18+$0x0] =	vst v2  }
.LBB2_8:
0xcf: {  	v2 =	vld [tilespmem:s20+$0xFFFFFFC0];
	s19 =	sadd.s32 $0x8, s19  }
0xd0: {  	p0 =	slt.u32 s19, $0xF8;
	_ =	sdelay $0x3  }
0xd1: {  	vm0 =	veq.s32 v2, v1  }
0xd2: {  	s18 =	sadd.s32 $0x400, s18;
	v2 =	vsel vm0, $0x3F800000, v0  }
0xd3: {  	[tilespmem:s18+$0xFFFFFF90] =	vst v2  }
0xd4: {  	v2 =	vld [tilespmem:s20+$0xFFFFFFD0];
	_ =	sdelay $0x4  }
0xd5: {  	vm0 =	veq.s32 v2, v1  }
0xd6: {  	v2 =	vsel vm0, $0x3F800000, v0  }
0xd7: {  	[tilespmem:s18+$0xFFFFFFA0] =	vst v2  }
0xd8: {  	v2 =	vld [tilespmem:s20+$0xFFFFFFE0];
	_ =	sdelay $0x4  }
0xd9: {  	vm0 =	veq.s32 v2, v1  }
0xda: {  	v2 =	vsel vm0, $0x3F800000, v0  }
0xdb: {  	[tilespmem:s18+$0xFFFFFFB0] =	vst v2  }
0xdc: {  	v2 =	vld [tilespmem:s20+$0xFFFFFFF0];
	_ =	sdelay $0x4  }
0xdd: {  	vm0 =	veq.s32 v2, v1  }
0xde: {  	v2 =	vsel vm0, $0x3F800000, v0  }
0xdf: {  	[tilespmem:s18+$0xFFFFFFC0] =	vst v2  }
0xe0: {  	v2 =	vld [tilespmem:s20+$0x0];
	_ =	sdelay $0x4  }
0xe1: {  	vm0 =	veq.s32 v2, v1  }
0xe2: {  	v2 =	vsel vm0, $0x3F800000, v0  }
0xe3: {  	[tilespmem:s18+$0xFFFFFFD0] =	vst v2  }
0xe4: {  	v2 =	vld [tilespmem:s20+$0x10];
	_ =	sdelay $0x4  }
0xe5: {  	vm0 =	veq.s32 v2, v1  }
0xe6: {  	v2 =	vsel vm0, $0x3F800000, v0  }
0xe7: {  	[tilespmem:s18+$0xFFFFFFE0] =	vst v2  }
0xe8: {  	v2 =	vld [tilespmem:s20+$0x20];
	_ =	sdelay $0x4  }
0xe9: {  	vm0 =	veq.s32 v2, v1  }
0xea: {  	v2 =	vsel vm0, $0x3F800000, v0  }
0xeb: {  	[tilespmem:s18+$0xFFFFFFF0] =	vst v2  }
0xec: {  	v2 =	vld [tilespmem:s20+$0x30];
	_ =	sdelay $0x2  }
.Ltmp7:
0xed: {  	(pc) =	sbr.rel @p0 .LBB2_8-.Ltmp7, $4  }
0xee: {  	_ = 	snop  }
0xef: {  	vm0 =	veq.s32 v2, v1  }
0xf0: {  	v2 =	vsel vm0, $0x3F800000, v0  }
0xf1: {  	s20 =	sadd.s32 $0x80, s20;
	[tilespmem:s18+$0x0] =	vst v2  }
0xf2: {  	v2 =	vld [tilespmem:s15+$0xFFFFFFC0];
	_ =	sdelay $0x1  }
0xf3: {  	s18 =	sor.u32 $0x3, s17  }
0xf4: {  	s18 =	ssub.s32 s18, s16  }
0xf5: {  	v1 =	vmov s18  }
0xf6: {  	vm0 =	veq.s32 v2, v1  }
0xf7: {  	s18 =	simm.s32 $0x141F0;
	v2 =	vsel vm0, $0x3F800000, v0  }
0xf8: {  	[tilespmem:s18+$0xFFFFFF90] =	vst v2  }
0xf9: {  	v2 =	vld [tilespmem:s15+$0xFFFFFFD0];
	_ =	sdelay $0x4  }
0xfa: {  	vm9 =	veq.s32 v2, v1  }
0xfb: {  	v2 =	vsel vm9, $0x3F800000, v0  }
0xfc: {  	[tilespmem:s18+$0xFFFFFFA0] =	vst v2  }
0xfd: {  	v2 =	vld [tilespmem:s15+$0xFFFFFFE0];
	_ =	sdelay $0x4  }
0xfe: {  	vm10 =	veq.s32 v2, v1  }
0xff: {  	v2 =	vsel vm10, $0x3F800000, v0  }
0x100: {  	[tilespmem:s18+$0xFFFFFFB0] =	vst v2  }
0x101: {  	v2 =	vld [tilespmem:s15+$0xFFFFFFF0];
	_ =	sdelay $0x4  }
0x102: {  	vm11 =	veq.s32 v2, v1  }
0x103: {  	v2 =	vsel vm11, $0x3F800000, v0  }
0x104: {  	[tilespmem:s18+$0xFFFFFFC0] =	vst v2  }
0x105: {  	v2 =	vld [tilespmem:s15+$0x0];
	_ =	sdelay $0x4  }
0x106: {  	vm12 =	veq.s32 v2, v1  }
0x107: {  	v2 =	vsel vm12, $0x3F800000, v0  }
0x108: {  	[tilespmem:s18+$0xFFFFFFD0] =	vst v2  }
0x109: {  	v2 =	vld [tilespmem:s15+$0x10];
	_ =	sdelay $0x4  }
0x10a: {  	vm13 =	veq.s32 v2, v1  }
0x10b: {  	v2 =	vsel vm13, $0x3F800000, v0  }
0x10c: {  	[tilespmem:s18+$0xFFFFFFE0] =	vst v2  }
0x10d: {  	v2 =	vld [tilespmem:s15+$0x20];
	_ =	sdelay $0x4  }
0x10e: {  	vm14 =	veq.s32 v2, v1  }
0x10f: {  	v2 =	vsel vm14, $0x3F800000, v0  }
0x110: {  	[tilespmem:s18+$0xFFFFFFF0] =	vst v2  }
0x111: {  	v2 =	vld [tilespmem:s15+$0x30];
	_ =	sdelay $0x4  }
0x112: {  	vm15 =	veq.s32 v2, v1  }
0x113: {  	v2 =	vsel vm15, $0x3F800000, v0  }
0x114: {  	s19 =	simm.s32 $0x0;
	s20 =	sadd.s32 $0x80, s15;
	[tilespmem:s18+$0x0] =	vst v2  }
.LBB2_10:
0x115: {  	v2 =	vld [tilespmem:s20+$0xFFFFFFC0];
	s19 =	sadd.s32 $0x8, s19  }
0x116: {  	p0 =	slt.u32 s19, $0xF8;
	_ =	sdelay $0x3  }
0x117: {  	vm0 =	veq.s32 v2, v1  }
0x118: {  	s18 =	sadd.s32 $0x400, s18;
	v2 =	vsel vm0, $0x3F800000, v0  }
0x119: {  	[tilespmem:s18+$0xFFFFFF90] =	vst v2  }
0x11a: {  	v2 =	vld [tilespmem:s20+$0xFFFFFFD0];
	_ =	sdelay $0x4  }
0x11b: {  	vm0 =	veq.s32 v2, v1  }
0x11c: {  	v2 =	vsel vm0, $0x3F800000, v0  }
0x11d: {  	[tilespmem:s18+$0xFFFFFFA0] =	vst v2  }
0x11e: {  	v2 =	vld [tilespmem:s20+$0xFFFFFFE0];
	_ =	sdelay $0x4  }
0x11f: {  	vm0 =	veq.s32 v2, v1  }
0x120: {  	v2 =	vsel vm0, $0x3F800000, v0  }
0x121: {  	[tilespmem:s18+$0xFFFFFFB0] =	vst v2  }
0x122: {  	v2 =	vld [tilespmem:s20+$0xFFFFFFF0];
	_ =	sdelay $0x4  }
0x123: {  	vm0 =	veq.s32 v2, v1  }
0x124: {  	v2 =	vsel vm0, $0x3F800000, v0  }
0x125: {  	[tilespmem:s18+$0xFFFFFFC0] =	vst v2  }
0x126: {  	v2 =	vld [tilespmem:s20+$0x0];
	_ =	sdelay $0x4  }
0x127: {  	vm0 =	veq.s32 v2, v1  }
0x128: {  	v2 =	vsel vm0, $0x3F800000, v0  }
0x129: {  	[tilespmem:s18+$0xFFFFFFD0] =	vst v2  }
0x12a: {  	v2 =	vld [tilespmem:s20+$0x10];
	_ =	sdelay $0x4  }
0x12b: {  	vm0 =	veq.s32 v2, v1  }
0x12c: {  	v2 =	vsel vm0, $0x3F800000, v0  }
0x12d: {  	[tilespmem:s18+$0xFFFFFFE0] =	vst v2  }
0x12e: {  	v2 =	vld [tilespmem:s20+$0x20];
	_ =	sdelay $0x4  }
0x12f: {  	vm0 =	veq.s32 v2, v1  }
0x130: {  	v2 =	vsel vm0, $0x3F800000, v0  }
0x131: {  	[tilespmem:s18+$0xFFFFFFF0] =	vst v2  }
0x132: {  	v2 =	vld [tilespmem:s20+$0x30];
	_ =	sdelay $0x2  }
.Ltmp8:
0x133: {  	(pc) =	sbr.rel @p0 .LBB2_10-.Ltmp8, $4  }
0x134: {  	_ = 	snop  }
0x135: {  	vm0 =	veq.s32 v2, v1  }
0x136: {  	v2 =	vsel vm0, $0x3F800000, v0  }
0x137: {  	s20 =	sadd.s32 $0x80, s20;
	[tilespmem:s18+$0x0] =	vst v2  }
0x138: {  	v2 =	vld [tilespmem:s15+$0xFFFFFFC0];
	_ =	sdelay $0x1  }
0x139: {  	s18 =	sor.u32 $0x4, s17  }
0x13a: {  	s18 =	ssub.s32 s18, s16  }
0x13b: {  	v1 =	vmov s18  }
0x13c: {  	vm0 =	veq.s32 v2, v1  }
0x13d: {  	s18 =	simm.s32 $0x14270;
	v2 =	vsel vm0, $0x3F800000, v0  }
0x13e: {  	[tilespmem:s18+$0xFFFFFF90] =	vst v2  }
0x13f: {  	v2 =	vld [tilespmem:s15+$0xFFFFFFD0];
	_ =	sdelay $0x4  }
0x140: {  	vm9 =	veq.s32 v2, v1  }
0x141: {  	v2 =	vsel vm9, $0x3F800000, v0  }
0x142: {  	[tilespmem:s18+$0xFFFFFFA0] =	vst v2  }
0x143: {  	v2 =	vld [tilespmem:s15+$0xFFFFFFE0];
	_ =	sdelay $0x4  }
0x144: {  	vm10 =	veq.s32 v2, v1  }
0x145: {  	v2 =	vsel vm10, $0x3F800000, v0  }
0x146: {  	[tilespmem:s18+$0xFFFFFFB0] =	vst v2  }
0x147: {  	v2 =	vld [tilespmem:s15+$0xFFFFFFF0];
	_ =	sdelay $0x4  }
0x148: {  	vm11 =	veq.s32 v2, v1  }
0x149: {  	v2 =	vsel vm11, $0x3F800000, v0  }
0x14a: {  	[tilespmem:s18+$0xFFFFFFC0] =	vst v2  }
0x14b: {  	v2 =	vld [tilespmem:s15+$0x0];
	_ =	sdelay $0x4  }
0x14c: {  	vm12 =	veq.s32 v2, v1  }
0x14d: {  	v2 =	vsel vm12, $0x3F800000, v0  }
0x14e: {  	[tilespmem:s18+$0xFFFFFFD0] =	vst v2  }
0x14f: {  	v2 =	vld [tilespmem:s15+$0x10];
	_ =	sdelay $0x4  }
0x150: {  	vm13 =	veq.s32 v2, v1  }
0x151: {  	v2 =	vsel vm13, $0x3F800000, v0  }
0x152: {  	[tilespmem:s18+$0xFFFFFFE0] =	vst v2  }
0x153: {  	v2 =	vld [tilespmem:s15+$0x20];
	_ =	sdelay $0x4  }
0x154: {  	vm14 =	veq.s32 v2, v1  }
0x155: {  	v2 =	vsel vm14, $0x3F800000, v0  }
0x156: {  	[tilespmem:s18+$0xFFFFFFF0] =	vst v2  }
0x157: {  	v2 =	vld [tilespmem:s15+$0x30];
	_ =	sdelay $0x4  }
0x158: {  	vm15 =	veq.s32 v2, v1  }
0x159: {  	v2 =	vsel vm15, $0x3F800000, v0  }
0x15a: {  	s19 =	simm.s32 $0x0;
	s20 =	sadd.s32 $0x80, s15;
	[tilespmem:s18+$0x0] =	vst v2  }
.LBB2_12:
0x15b: {  	v2 =	vld [tilespmem:s20+$0xFFFFFFC0];
	s19 =	sadd.s32 $0x8, s19  }
0x15c: {  	p0 =	slt.u32 s19, $0xF8;
	_ =	sdelay $0x3  }
0x15d: {  	vm0 =	veq.s32 v2, v1  }
0x15e: {  	s18 =	sadd.s32 $0x400, s18;
	v2 =	vsel vm0, $0x3F800000, v0  }
0x15f: {  	[tilespmem:s18+$0xFFFFFF90] =	vst v2  }
0x160: {  	v2 =	vld [tilespmem:s20+$0xFFFFFFD0];
	_ =	sdelay $0x4  }
0x161: {  	vm0 =	veq.s32 v2, v1  }
0x162: {  	v2 =	vsel vm0, $0x3F800000, v0  }
0x163: {  	[tilespmem:s18+$0xFFFFFFA0] =	vst v2  }
0x164: {  	v2 =	vld [tilespmem:s20+$0xFFFFFFE0];
	_ =	sdelay $0x4  }
0x165: {  	vm0 =	veq.s32 v2, v1  }
0x166: {  	v2 =	vsel vm0, $0x3F800000, v0  }
0x167: {  	[tilespmem:s18+$0xFFFFFFB0] =	vst v2  }
0x168: {  	v2 =	vld [tilespmem:s20+$0xFFFFFFF0];
	_ =	sdelay $0x4  }
0x169: {  	vm0 =	veq.s32 v2, v1  }
0x16a: {  	v2 =	vsel vm0, $0x3F800000, v0  }
0x16b: {  	[tilespmem:s18+$0xFFFFFFC0] =	vst v2  }
0x16c: {  	v2 =	vld [tilespmem:s20+$0x0];
	_ =	sdelay $0x4  }
0x16d: {  	vm0 =	veq.s32 v2, v1  }
0x16e: {  	v2 =	vsel vm0, $0x3F800000, v0  }
0x16f: {  	[tilespmem:s18+$0xFFFFFFD0] =	vst v2  }
0x170: {  	v2 =	vld [tilespmem:s20+$0x10];
	_ =	sdelay $0x4  }
0x171: {  	vm0 =	veq.s32 v2, v1  }
0x172: {  	v2 =	vsel vm0, $0x3F800000, v0  }
0x173: {  	[tilespmem:s18+$0xFFFFFFE0] =	vst v2  }
0x174: {  	v2 =	vld [tilespmem:s20+$0x20];
	_ =	sdelay $0x4  }
0x175: {  	vm0 =	veq.s32 v2, v1  }
0x176: {  	v2 =	vsel vm0, $0x3F800000, v0  }
0x177: {  	[tilespmem:s18+$0xFFFFFFF0] =	vst v2  }
0x178: {  	v2 =	vld [tilespmem:s20+$0x30];
	_ =	sdelay $0x2  }
.Ltmp9:
0x179: {  	(pc) =	sbr.rel @p0 .LBB2_12-.Ltmp9, $4  }
0x17a: {  	_ = 	snop  }
0x17b: {  	vm0 =	veq.s32 v2, v1  }
0x17c: {  	v2 =	vsel vm0, $0x3F800000, v0  }
0x17d: {  	s20 =	sadd.s32 $0x80, s20;
	[tilespmem:s18+$0x0] =	vst v2  }
0x17e: {  	v2 =	vld [tilespmem:s15+$0xFFFFFFC0];
	_ =	sdelay $0x1  }
0x17f: {  	s18 =	sor.u32 $0x5, s17  }
0x180: {  	s18 =	ssub.s32 s18, s16  }
0x181: {  	v1 =	vmov s18  }
0x182: {  	vm0 =	veq.s32 v2, v1  }
0x183: {  	s18 =	simm.s32 $0x142F0;
	v2 =	vsel vm0, $0x3F800000, v0  }
0x184: {  	[tilespmem:s18+$0xFFFFFF90] =	vst v2  }
0x185: {  	v2 =	vld [tilespmem:s15+$0xFFFFFFD0];
	_ =	sdelay $0x4  }
0x186: {  	vm9 =	veq.s32 v2, v1  }
0x187: {  	v2 =	vsel vm9, $0x3F800000, v0  }
0x188: {  	[tilespmem:s18+$0xFFFFFFA0] =	vst v2  }
0x189: {  	v2 =	vld [tilespmem:s15+$0xFFFFFFE0];
	_ =	sdelay $0x4  }
0x18a: {  	vm10 =	veq.s32 v2, v1  }
0x18b: {  	v2 =	vsel vm10, $0x3F800000, v0  }
0x18c: {  	[tilespmem:s18+$0xFFFFFFB0] =	vst v2  }
0x18d: {  	v2 =	vld [tilespmem:s15+$0xFFFFFFF0];
	_ =	sdelay $0x4  }
0x18e: {  	vm11 =	veq.s32 v2, v1  }
0x18f: {  	v2 =	vsel vm11, $0x3F800000, v0  }
0x190: {  	[tilespmem:s18+$0xFFFFFFC0] =	vst v2  }
0x191: {  	v2 =	vld [tilespmem:s15+$0x0];
	_ =	sdelay $0x4  }
0x192: {  	vm12 =	veq.s32 v2, v1  }
0x193: {  	v2 =	vsel vm12, $0x3F800000, v0  }
0x194: {  	[tilespmem:s18+$0xFFFFFFD0] =	vst v2  }
0x195: {  	v2 =	vld [tilespmem:s15+$0x10];
	_ =	sdelay $0x4  }
0x196: {  	vm13 =	veq.s32 v2, v1  }
0x197: {  	v2 =	vsel vm13, $0x3F800000, v0  }
0x198: {  	[tilespmem:s18+$0xFFFFFFE0] =	vst v2  }
0x199: {  	v2 =	vld [tilespmem:s15+$0x20];
	_ =	sdelay $0x4  }
0x19a: {  	vm14 =	veq.s32 v2, v1  }
0x19b: {  	v2 =	vsel vm14, $0x3F800000, v0  }
0x19c: {  	[tilespmem:s18+$0xFFFFFFF0] =	vst v2  }
0x19d: {  	v2 =	vld [tilespmem:s15+$0x30];
	_ =	sdelay $0x4  }
0x19e: {  	vm15 =	veq.s32 v2, v1  }
0x19f: {  	v2 =	vsel vm15, $0x3F800000, v0  }
0x1a0: {  	s19 =	simm.s32 $0x0;
	s20 =	sadd.s32 $0x80, s15;
	[tilespmem:s18+$0x0] =	vst v2  }
.LBB2_14:
0x1a1: {  	v2 =	vld [tilespmem:s20+$0xFFFFFFC0];
	s19 =	sadd.s32 $0x8, s19  }
0x1a2: {  	p0 =	slt.u32 s19, $0xF8;
	_ =	sdelay $0x3  }
0x1a3: {  	vm0 =	veq.s32 v2, v1  }
0x1a4: {  	s18 =	sadd.s32 $0x400, s18;
	v2 =	vsel vm0, $0x3F800000, v0  }
0x1a5: {  	[tilespmem:s18+$0xFFFFFF90] =	vst v2  }
0x1a6: {  	v2 =	vld [tilespmem:s20+$0xFFFFFFD0];
	_ =	sdelay $0x4  }
0x1a7: {  	vm0 =	veq.s32 v2, v1  }
0x1a8: {  	v2 =	vsel vm0, $0x3F800000, v0  }
0x1a9: {  	[tilespmem:s18+$0xFFFFFFA0] =	vst v2  }
0x1aa: {  	v2 =	vld [tilespmem:s20+$0xFFFFFFE0];
	_ =	sdelay $0x4  }
0x1ab: {  	vm0 =	veq.s32 v2, v1  }
0x1ac: {  	v2 =	vsel vm0, $0x3F800000, v0  }
0x1ad: {  	[tilespmem:s18+$0xFFFFFFB0] =	vst v2  }
0x1ae: {  	v2 =	vld [tilespmem:s20+$0xFFFFFFF0];
	_ =	sdelay $0x4  }
0x1af: {  	vm0 =	veq.s32 v2, v1  }
0x1b0: {  	v2 =	vsel vm0, $0x3F800000, v0  }
0x1b1: {  	[tilespmem:s18+$0xFFFFFFC0] =	vst v2  }
0x1b2: {  	v2 =	vld [tilespmem:s20+$0x0];
	_ =	sdelay $0x4  }
0x1b3: {  	vm0 =	veq.s32 v2, v1  }
0x1b4: {  	v2 =	vsel vm0, $0x3F800000, v0  }
0x1b5: {  	[tilespmem:s18+$0xFFFFFFD0] =	vst v2  }
0x1b6: {  	v2 =	vld [tilespmem:s20+$0x10];
	_ =	sdelay $0x4  }
0x1b7: {  	vm0 =	veq.s32 v2, v1  }
0x1b8: {  	v2 =	vsel vm0, $0x3F800000, v0  }
0x1b9: {  	[tilespmem:s18+$0xFFFFFFE0] =	vst v2  }
0x1ba: {  	v2 =	vld [tilespmem:s20+$0x20];
	_ =	sdelay $0x4  }
0x1bb: {  	vm0 =	veq.s32 v2, v1  }
0x1bc: {  	v2 =	vsel vm0, $0x3F800000, v0  }
0x1bd: {  	[tilespmem:s18+$0xFFFFFFF0] =	vst v2  }
0x1be: {  	v2 =	vld [tilespmem:s20+$0x30];
	_ =	sdelay $0x2  }
.Ltmp10:
0x1bf: {  	(pc) =	sbr.rel @p0 .LBB2_14-.Ltmp10, $4  }
0x1c0: {  	_ = 	snop  }
0x1c1: {  	vm0 =	veq.s32 v2, v1  }
0x1c2: {  	v2 =	vsel vm0, $0x3F800000, v0  }
0x1c3: {  	s20 =	sadd.s32 $0x80, s20;
	[tilespmem:s18+$0x0] =	vst v2  }
0x1c4: {  	v2 =	vld [tilespmem:s15+$0xFFFFFFC0];
	_ =	sdelay $0x1  }
0x1c5: {  	s18 =	sor.u32 $0x6, s17  }
0x1c6: {  	s18 =	ssub.s32 s18, s16  }
0x1c7: {  	v1 =	vmov s18  }
0x1c8: {  	vm0 =	veq.s32 v2, v1  }
0x1c9: {  	s18 =	simm.s32 $0x14370;
	v2 =	vsel vm0, $0x3F800000, v0  }
0x1ca: {  	[tilespmem:s18+$0xFFFFFF90] =	vst v2  }
0x1cb: {  	v2 =	vld [tilespmem:s15+$0xFFFFFFD0];
	_ =	sdelay $0x4  }
0x1cc: {  	vm9 =	veq.s32 v2, v1  }
0x1cd: {  	v2 =	vsel vm9, $0x3F800000, v0  }
0x1ce: {  	[tilespmem:s18+$0xFFFFFFA0] =	vst v2  }
0x1cf: {  	v2 =	vld [tilespmem:s15+$0xFFFFFFE0];
	_ =	sdelay $0x4  }
0x1d0: {  	vm10 =	veq.s32 v2, v1  }
0x1d1: {  	v2 =	vsel vm10, $0x3F800000, v0  }
0x1d2: {  	[tilespmem:s18+$0xFFFFFFB0] =	vst v2  }
0x1d3: {  	v2 =	vld [tilespmem:s15+$0xFFFFFFF0];
	_ =	sdelay $0x4  }
0x1d4: {  	vm11 =	veq.s32 v2, v1  }
0x1d5: {  	v2 =	vsel vm11, $0x3F800000, v0  }
0x1d6: {  	[tilespmem:s18+$0xFFFFFFC0] =	vst v2  }
0x1d7: {  	v2 =	vld [tilespmem:s15+$0x0];
	_ =	sdelay $0x4  }
0x1d8: {  	vm12 =	veq.s32 v2, v1  }
0x1d9: {  	v2 =	vsel vm12, $0x3F800000, v0  }
0x1da: {  	[tilespmem:s18+$0xFFFFFFD0] =	vst v2  }
0x1db: {  	v2 =	vld [tilespmem:s15+$0x10];
	_ =	sdelay $0x4  }
0x1dc: {  	vm13 =	veq.s32 v2, v1  }
0x1dd: {  	v2 =	vsel vm13, $0x3F800000, v0  }
0x1de: {  	[tilespmem:s18+$0xFFFFFFE0] =	vst v2  }
0x1df: {  	v2 =	vld [tilespmem:s15+$0x20];
	_ =	sdelay $0x4  }
0x1e0: {  	vm14 =	veq.s32 v2, v1  }
0x1e1: {  	v2 =	vsel vm14, $0x3F800000, v0  }
0x1e2: {  	[tilespmem:s18+$0xFFFFFFF0] =	vst v2  }
0x1e3: {  	v2 =	vld [tilespmem:s15+$0x30];
	_ =	sdelay $0x4  }
0x1e4: {  	vm15 =	veq.s32 v2, v1  }
0x1e5: {  	v2 =	vsel vm15, $0x3F800000, v0  }
0x1e6: {  	s19 =	simm.s32 $0x0;
	s20 =	sadd.s32 $0x80, s15;
	[tilespmem:s18+$0x0] =	vst v2  }
.LBB2_16:
0x1e7: {  	v2 =	vld [tilespmem:s20+$0xFFFFFFC0];
	s19 =	sadd.s32 $0x8, s19  }
0x1e8: {  	p0 =	slt.u32 s19, $0xF8;
	_ =	sdelay $0x3  }
0x1e9: {  	vm0 =	veq.s32 v2, v1  }
0x1ea: {  	s18 =	sadd.s32 $0x400, s18;
	v2 =	vsel vm0, $0x3F800000, v0  }
0x1eb: {  	[tilespmem:s18+$0xFFFFFF90] =	vst v2  }
0x1ec: {  	v2 =	vld [tilespmem:s20+$0xFFFFFFD0];
	_ =	sdelay $0x4  }
0x1ed: {  	vm0 =	veq.s32 v2, v1  }
0x1ee: {  	v2 =	vsel vm0, $0x3F800000, v0  }
0x1ef: {  	[tilespmem:s18+$0xFFFFFFA0] =	vst v2  }
0x1f0: {  	v2 =	vld [tilespmem:s20+$0xFFFFFFE0];
	_ =	sdelay $0x4  }
0x1f1: {  	vm0 =	veq.s32 v2, v1  }
0x1f2: {  	v2 =	vsel vm0, $0x3F800000, v0  }
0x1f3: {  	[tilespmem:s18+$0xFFFFFFB0] =	vst v2  }
0x1f4: {  	v2 =	vld [tilespmem:s20+$0xFFFFFFF0];
	_ =	sdelay $0x4  }
0x1f5: {  	vm0 =	veq.s32 v2, v1  }
0x1f6: {  	v2 =	vsel vm0, $0x3F800000, v0  }
0x1f7: {  	[tilespmem:s18+$0xFFFFFFC0] =	vst v2  }
0x1f8: {  	v2 =	vld [tilespmem:s20+$0x0];
	_ =	sdelay $0x4  }
0x1f9: {  	vm0 =	veq.s32 v2, v1  }
0x1fa: {  	v2 =	vsel vm0, $0x3F800000, v0  }
0x1fb: {  	[tilespmem:s18+$0xFFFFFFD0] =	vst v2  }
0x1fc: {  	v2 =	vld [tilespmem:s20+$0x10];
	_ =	sdelay $0x4  }
0x1fd: {  	vm0 =	veq.s32 v2, v1  }
0x1fe: {  	v2 =	vsel vm0, $0x3F800000, v0  }
0x1ff: {  	[tilespmem:s18+$0xFFFFFFE0] =	vst v2  }
0x200: {  	v2 =	vld [tilespmem:s20+$0x20];
	_ =	sdelay $0x4  }
0x201: {  	vm0 =	veq.s32 v2, v1  }
0x202: {  	v2 =	vsel vm0, $0x3F800000, v0  }
0x203: {  	[tilespmem:s18+$0xFFFFFFF0] =	vst v2  }
0x204: {  	v2 =	vld [tilespmem:s20+$0x30];
	_ =	sdelay $0x2  }
.Ltmp11:
0x205: {  	(pc) =	sbr.rel @p0 .LBB2_16-.Ltmp11, $4  }
0x206: {  	_ = 	snop  }
0x207: {  	vm0 =	veq.s32 v2, v1  }
0x208: {  	v2 =	vsel vm0, $0x3F800000, v0  }
0x209: {  	s20 =	sadd.s32 $0x80, s20;
	[tilespmem:s18+$0x0] =	vst v2  }
0x20a: {  	v2 =	vld [tilespmem:s15+$0xFFFFFFC0];
	_ =	sdelay $0x1  }
0x20b: {  	s17 =	sor.u32 $0x7, s17  }
0x20c: {  	s16 =	ssub.s32 s17, s16  }
0x20d: {  	v1 =	vmov s16  }
0x20e: {  	vm0 =	veq.s32 v2, v1  }
0x20f: {  	s16 =	simm.s32 $0x143F0;
	v2 =	vsel vm0, $0x3F800000, v0  }
0x210: {  	[tilespmem:s16+$0xFFFFFF90] =	vst v2  }
0x211: {  	v2 =	vld [tilespmem:s15+$0xFFFFFFD0];
	_ =	sdelay $0x4  }
0x212: {  	vm9 =	veq.s32 v2, v1  }
0x213: {  	v2 =	vsel vm9, $0x3F800000, v0  }
0x214: {  	[tilespmem:s16+$0xFFFFFFA0] =	vst v2  }
0x215: {  	v2 =	vld [tilespmem:s15+$0xFFFFFFE0];
	_ =	sdelay $0x4  }
0x216: {  	vm10 =	veq.s32 v2, v1  }
0x217: {  	v2 =	vsel vm10, $0x3F800000, v0  }
0x218: {  	[tilespmem:s16+$0xFFFFFFB0] =	vst v2  }
0x219: {  	v2 =	vld [tilespmem:s15+$0xFFFFFFF0];
	_ =	sdelay $0x4  }
0x21a: {  	vm11 =	veq.s32 v2, v1  }
0x21b: {  	v2 =	vsel vm11, $0x3F800000, v0  }
0x21c: {  	[tilespmem:s16+$0xFFFFFFC0] =	vst v2  }
0x21d: {  	v2 =	vld [tilespmem:s15+$0x0];
	_ =	sdelay $0x4  }
0x21e: {  	vm12 =	veq.s32 v2, v1  }
0x21f: {  	v2 =	vsel vm12, $0x3F800000, v0  }
0x220: {  	[tilespmem:s16+$0xFFFFFFD0] =	vst v2  }
0x221: {  	v2 =	vld [tilespmem:s15+$0x10];
	_ =	sdelay $0x4  }
0x222: {  	vm13 =	veq.s32 v2, v1  }
0x223: {  	v2 =	vsel vm13, $0x3F800000, v0  }
0x224: {  	[tilespmem:s16+$0xFFFFFFE0] =	vst v2  }
0x225: {  	v2 =	vld [tilespmem:s15+$0x20];
	_ =	sdelay $0x4  }
0x226: {  	vm14 =	veq.s32 v2, v1  }
0x227: {  	v2 =	vsel vm14, $0x3F800000, v0  }
0x228: {  	[tilespmem:s16+$0xFFFFFFF0] =	vst v2  }
0x229: {  	v2 =	vld [tilespmem:s15+$0x30];
	_ =	sdelay $0x4  }
0x22a: {  	vm15 =	veq.s32 v2, v1  }
0x22b: {  	v2 =	vsel vm15, $0x3F800000, v0  }
0x22c: {  	s17 =	simm.s32 $0x0;
	s15 =	sadd.s32 $0x80, s15;
	[tilespmem:s16+$0x0] =	vst v2  }
.LBB2_18:
0x22d: {  	v2 =	vld [tilespmem:s15+$0xFFFFFFC0];
	s17 =	sadd.s32 $0x8, s17  }
0x22e: {  	p0 =	slt.u32 s17, $0xF8;
	_ =	sdelay $0x3  }
0x22f: {  	vm0 =	veq.s32 v2, v1  }
0x230: {  	s16 =	sadd.s32 $0x400, s16;
	v2 =	vsel vm0, $0x3F800000, v0  }
0x231: {  	[tilespmem:s16+$0xFFFFFF90] =	vst v2  }
0x232: {  	v2 =	vld [tilespmem:s15+$0xFFFFFFD0];
	_ =	sdelay $0x4  }
0x233: {  	vm0 =	veq.s32 v2, v1  }
0x234: {  	v2 =	vsel vm0, $0x3F800000, v0  }
0x235: {  	[tilespmem:s16+$0xFFFFFFA0] =	vst v2  }
0x236: {  	v2 =	vld [tilespmem:s15+$0xFFFFFFE0];
	_ =	sdelay $0x4  }
0x237: {  	vm0 =	veq.s32 v2, v1  }
0x238: {  	v2 =	vsel vm0, $0x3F800000, v0  }
0x239: {  	[tilespmem:s16+$0xFFFFFFB0] =	vst v2  }
0x23a: {  	v2 =	vld [tilespmem:s15+$0xFFFFFFF0];
	_ =	sdelay $0x4  }
0x23b: {  	vm0 =	veq.s32 v2, v1  }
0x23c: {  	v2 =	vsel vm0, $0x3F800000, v0  }
0x23d: {  	[tilespmem:s16+$0xFFFFFFC0] =	vst v2  }
0x23e: {  	v2 =	vld [tilespmem:s15+$0x0];
	_ =	sdelay $0x4  }
0x23f: {  	vm0 =	veq.s32 v2, v1  }
0x240: {  	v2 =	vsel vm0, $0x3F800000, v0  }
0x241: {  	[tilespmem:s16+$0xFFFFFFD0] =	vst v2  }
0x242: {  	v2 =	vld [tilespmem:s15+$0x10];
	_ =	sdelay $0x4  }
0x243: {  	vm0 =	veq.s32 v2, v1  }
0x244: {  	v2 =	vsel vm0, $0x3F800000, v0  }
0x245: {  	[tilespmem:s16+$0xFFFFFFE0] =	vst v2  }
0x246: {  	v2 =	vld [tilespmem:s15+$0x20];
	_ =	sdelay $0x4  }
0x247: {  	vm0 =	veq.s32 v2, v1  }
0x248: {  	v2 =	vsel vm0, $0x3F800000, v0  }
0x249: {  	[tilespmem:s16+$0xFFFFFFF0] =	vst v2  }
0x24a: {  	v2 =	vld [tilespmem:s15+$0x30];
	_ =	sdelay $0x2  }
.Ltmp12:
0x24b: {  	(pc) =	sbr.rel @p0 .LBB2_18-.Ltmp12, $4  }
0x24c: {  	_ = 	snop  }
0x24d: {  	vm0 =	veq.s32 v2, v1  }
0x24e: {  	v2 =	vsel vm0, $0x3F800000, v0  }
0x24f: {  	s15 =	sadd.s32 $0x80, s15;
	[tilespmem:s16+$0x0] =	vst v2  }
0x250: {  	s14 =	sshll.u32 s14, $0xC  }
.Ltmp13:
0x251: {  	s14 =	sadd.s32 s1, s14;
	(pc) =	sbr.rel .LBB2_20-.Ltmp13, $4  }
0x252: {  	[hbm4b:s14+s4] =	stream.linear.scatter [tilespmem:s10], [sflag:$0x1], $0x8000, $0x38;
	[tilespmem:$0x1C000] =	vst v63  }
0x253: {  	_ =	swait.ge [sflag:s9], $0x8000  }
0x254: {  	[sflag:s9] =	ssyncset.done $0x0  }
0x255: {  	[sflag:s9] =	ssyncadd.s32 $0xFFFF8000  }
.LBB2_22:
0x256: {  	_ =	sfence.sel $0x180000  }
0x257: {  	[bflag:$0x0] =	sbarrier.arrive $0xFFFF  }
0x258: {  	p0 =	sne.s32 s3, $0x0;
	_ =	strace $0x90000047  }
0x259: {  	s0 =	sadd.s32 @!p0 $0x100000, s0;
	[bflag:$0x2] =	sbarrier.arrive $0xFFFF  }
0x25a: {  	[sflag:s0] =	ssyncadd.tile.s32 @!p0 $0x1;
	_ =	shalt  }
.Lfunc_end2:
_tile_overlayer_lowered:
.L_overlay_start_2:
0x25b: {  	(tag) =	ssettag $0x2  }
0x25c: {  	s0 =	rddreg [dreg:$0x0];
	s2 =	stileid.u32  }
0x25d: {  	s1 =	rddreg [dreg:$0x1];
	p0 =	sne.s32 s2, $0x0  }
0x25e: {  	s3 =	rddreg [dreg:$0x2];
	[bflag:$0x3] =	sbarrier.arrive $0xFFFF;
	s2 =	simm.s32 @!p0 $0x1C01  }
0x25f: {  	[timem:s3], [sflag:s2] =	dma.local @!p0 [hbm:s0], s1  }
0x260: {  	s0 =	simm.s32 @!p0 $0x1  }
0x261: {  	_ =	swait.ge @!p0 [sflag:s0], s1  }
0x262: {  	s1 =	ssub.s32 @!p0 $0x0, s1;
	[sflag:s0] =	ssyncset.done @!p0 $0x0  }
0x263: {  	[sflag:s0] =	ssyncadd.s32 @!p0 s1  }
0x264: {  	[bflag:$0x3] =	sbarrier.arrive $0xFFFF  }
0x265: {  	_ =	shalt  }

</sc_bundles>
